<compile_context>
chip_gen: v7x
topology: tpu7x:2x2x1
jax: 0.10.2.dev20260603
libtpu: 0.0.44.dev20260713+nightly
codegen_flags: <defaults>
</compile_context>

<pallas_src>
import functools
import math

import jax
import jax.numpy as jnp
from jax import lax
from jax.experimental import pallas as pl
from jax.experimental.pallas import tpu as pltpu
from jax.experimental.pallas import tpu_sc as plsc

N = 10000
D = 128
ALPHA = 0.1
THETA = 0.5
LAYER = 4
BETA = math.log(THETA / (LAYER + 1) + 1.0)

NC = 2
NS = 16
NW = NC * NS
CHUNK = 128
ROWS_PER_SUB = 624
ROWS_LAST = N - (NS - 1) * ROWS_PER_SUB


def _sc_aggregate(x, ei, zeros_blk):
    E = ei.shape[1]
    assert E % CHUNK == 0
    nchunks = E // CHUNK
    full = nchunks // NW
    rem = nchunks % NW
    assert full % 3 == 0 and full >= 3
    mesh = plsc.VectorSubcoreMesh(core_axis_name="c", subcore_axis_name="s")

    @functools.partial(
        pl.kernel,
        out_type=jax.ShapeDtypeStruct((NC, N, D), jnp.float32),
        mesh=mesh,
        scratch_types=[
            pltpu.VMEM((2, CHUNK), jnp.int32),
            pltpu.VMEM((2, CHUNK), jnp.int32),
            pltpu.VMEM((2, CHUNK), jnp.int32),
            pltpu.VMEM((CHUNK, D), jnp.float32),
            pltpu.VMEM((CHUNK, D), jnp.float32),
            pltpu.VMEM((CHUNK, D), jnp.float32),
            pltpu.VMEM_SHARED((N, D), jnp.float32),
            pltpu.SemaphoreType.DMA,
            pltpu.SemaphoreType.DMA,
            pltpu.SemaphoreType.DMA,
            pltpu.SemaphoreType.DMA,
            pltpu.SemaphoreType.DMA,
            pltpu.SemaphoreType.DMA,
            pltpu.SemaphoreType.DMA,
            pltpu.SemaphoreType.DMA,
            pltpu.SemaphoreType.DMA,
            pltpu.SemaphoreType.DMA,
        ],
    )
    def k(x_hbm, ei_hbm, z_hbm, out_hbm,
          idx0, idx1, idx2, rows0, rows1, rows2, acc,
          isem0, isem1, isem2, gsem0, gsem1, gsem2,
          ssem0, ssem1, ssem2, zsem):
        cid = lax.axis_index("c")
        sid = lax.axis_index("s")
        wid = sid * NC + cid
        tw = full + jnp.where(wid < rem, 1, 0)
        base = pl.multiple_of(sid * ROWS_PER_SUB, 8)
        zbase = pl.multiple_of(((sid + 8 * cid) % NS) * ROWS_PER_SUB, 8)
        last = sid == NS - 1

        ibufs = (idx0, idx1, idx2)
        isems = (isem0, isem1, isem2)
        rbufs = (rows0, rows1, rows2)
        gsems = (gsem0, gsem1, gsem2)

        def issue_idx(ch, ibuf, isem):
            off = pl.multiple_of((ch * NW + wid) * CHUNK, CHUNK)
            pltpu.async_copy(ei_hbm.at[0, pl.ds(off, CHUNK)], ibuf.at[0], isem)
            pltpu.async_copy(ei_hbm.at[1, pl.ds(off, CHUNK)], ibuf.at[1], isem)

        def wait_idx(ch, ibuf, isem):
            off = pl.multiple_of((ch * NW + wid) * CHUNK, CHUNK)
            pltpu.make_async_copy(
                ei_hbm.at[0, pl.ds(off, CHUNK)], ibuf.at[0], isem).wait()
            pltpu.make_async_copy(
                ei_hbm.at[1, pl.ds(off, CHUNK)], ibuf.at[1], isem).wait()

        ssems = (ssem0, ssem1, ssem2)

        issue_idx(0, idx0, isem0)
        issue_idx(1, idx1, isem1)
        issue_idx(2, idx2, isem2)
        @pl.when(last)
        def _():
            pltpu.async_copy(z_hbm.at[pl.ds(zbase, ROWS_LAST)],
                             acc.at[pl.ds(base, ROWS_LAST)], zsem)

        @pl.when(jnp.logical_not(last))
        def _():
            pltpu.async_copy(z_hbm.at[pl.ds(zbase, ROWS_PER_SUB)],
                             acc.at[pl.ds(base, ROWS_PER_SUB)], zsem)
        wait_idx(0, idx0, isem0)
        pltpu.async_copy(x_hbm.at[idx0.at[0]], rows0, gsem0)
        wait_idx(1, idx1, isem1)
        pltpu.async_copy(x_hbm.at[idx1.at[0]], rows1, gsem1)

        @pl.when(last)
        def _():
            pltpu.make_async_copy(z_hbm.at[pl.ds(zbase, ROWS_LAST)],
                                  acc.at[pl.ds(base, ROWS_LAST)], zsem).wait()

        @pl.when(jnp.logical_not(last))
        def _():
            pltpu.make_async_copy(z_hbm.at[pl.ds(zbase, ROWS_PER_SUB)],
                                  acc.at[pl.ds(base, ROWS_PER_SUB)],
                                  zsem).wait()
        plsc.subcore_barrier()

        def body(i, carry):
            for b in (0, 1, 2):
                ch = 3 * i + b
                ibuf, isem = ibufs[b], isems[b]
                rows, gsem, ssem = rbufs[b], gsems[b], ssems[b]
                b2 = (b + 2) % 3
                i2buf, i2sem = ibufs[b2], isems[b2]
                r2buf, g2sem, s2sem = rbufs[b2], gsems[b2], ssems[b2]

                pltpu.make_async_copy(x_hbm.at[ibuf.at[0]], rows, gsem).wait()

                @pl.when(ch + 2 < tw)
                def _():
                    wait_idx(ch + 2, i2buf, i2sem)

                    @pl.when(ch >= 1)
                    def _():
                        pltpu.make_async_copy(
                            r2buf, acc.at[i2buf.at[1]], s2sem).wait()

                    pltpu.async_copy(x_hbm.at[i2buf.at[0]], r2buf, g2sem)

                pltpu.async_copy(rows, acc.at[ibuf.at[1]], ssem, add=True)

                @pl.when(ch + 3 < tw)
                def _():
                    issue_idx(ch + 3, ibuf, isem)
            return carry

        lax.fori_loop(0, full // 3, body, 0)

        @pl.when(tw > full)
        def _():
            pltpu.make_async_copy(x_hbm.at[idx0.at[0]], rows0, gsem0).wait()
            pltpu.async_copy(rows0, acc.at[idx0.at[1]], ssem0, add=True)

        for b in (0, 1, 2):
            pltpu.make_async_copy(
                rbufs[b], acc.at[ibufs[b].at[1]], ssems[b]).wait()

        plsc.subcore_barrier()

        @pl.when(last)
        def _():
            pltpu.sync_copy(acc.at[pl.ds(base, ROWS_LAST)],
                            out_hbm.at[cid, pl.ds(base, ROWS_LAST)])

        @pl.when(jnp.logical_not(last))
        def _():
            pltpu.sync_copy(acc.at[pl.ds(base, ROWS_PER_SUB)],
                            out_hbm.at[cid, pl.ds(base, ROWS_PER_SUB)])

    return k(x, ei, zeros_blk)


_BLK = 5000


def _tc_combine(partial, x_0, W):

    def body(p_ref, x0_ref, w_ref, out_ref):
        t = (1.0 - ALPHA) * (p_ref[0] + p_ref[1]) + ALPHA * x0_ref[...]
        out_ref[...] = (1.0 - BETA) * t + BETA * jnp.dot(
            t, w_ref[...], preferred_element_type=jnp.float32)

    bs = pl.BlockSpec((_BLK, D), lambda i: (i, 0))
    return pl.pallas_call(
        body,
        grid=(N // _BLK,),
        in_specs=[
            pl.BlockSpec((NC, _BLK, D), lambda i: (0, i, 0)),
            bs,
            pl.BlockSpec((D, D), lambda i: (0, 0)),
        ],
        out_specs=bs,
        out_shape=jax.ShapeDtypeStruct((N, D), jnp.float32),
    )(partial, x_0, W)


@jax.jit
def _impl(x, x_0, edge_index, W):
    ei = edge_index.astype(jnp.int32)
    zeros_blk = jnp.zeros((N, D), jnp.float32)
    partial = _sc_aggregate(x, ei, zeros_blk)
    return _tc_combine(partial, x_0, W)


def kernel(x, x_0, edge_index, W):
    return _impl(x, x_0, edge_index, W)

# --- scband reference (transcript-rebuilt; emitter-appended) ---
"""Pipeline reference for scband-gcnii-layer-34591666602120 (READ-ONLY COPY).

The authoritative reference and input builder live on the scoring server;
editing this copy changes nothing except your own understanding.
"""

import jax, jax.numpy as jnp
import numpy as np
import math

N = 10000
E = 320000
D = 128
ALPHA = 0.1
THETA = 0.5
LAYER = 4  # GCN2Conv receives layer+1
BETA = math.log(THETA / (LAYER + 1) + 1.0)


def setup_inputs(seed: int = 0) -> dict:
    key = jax.random.key(seed)
    k1, k2, k3, k4 = jax.random.split(key, 4)
    x = jax.random.normal(k1, (N, D), dtype=jnp.float32)
    x_0 = jax.random.normal(k2, (N, D), dtype=jnp.float32)
    edge_index = jax.random.randint(k3, (2, E), 0, N, dtype=jnp.int64)
    # glorot-initialized shared weight (weight1 of GCN2Conv)
    limit = math.sqrt(6.0 / (D + D))
    W = jax.random.uniform(k4, (D, D), minval=-limit, maxval=limit, dtype=jnp.float32)
    return {"x": x, "x_0": x_0, "edge_index": edge_index, "W": W}


def reference(x, x_0, edge_index, W):
    # GCN2Conv with normalize=False, edge_weight=None, shared_weights=True
    src = edge_index[0]
    dst = edge_index[1]
    # propagate: gather source features, scatter-add to destination nodes
    msgs = jnp.take(x, src, axis=0)
    agg = jnp.zeros_like(x).at[dst].add(msgs)
    agg = agg * (1.0 - ALPHA)
    x0 = ALPHA * x_0
    out = agg + x0
    out = (1.0 - BETA) * out + BETA * (out @ W)
    return out

if __name__ == "__main__":
    import jax
    _d = setup_inputs()
    print(jax.jit(kernel)(*tuple(_d.values())))

</pallas_src>

<mosaic_0001>
#map = affine_map<(d0, d1) -> (0, 0)>
#map1 = affine_map<(d0, d1) -> (0, 0, 0)>
module attributes {stable_mosaic.version = 14 : i64} {
  func.func @k(%arg0: i32, %arg1: i32, %arg2: memref<10000x128xf32, #tpu.memory_space<hbm>>, %arg3: memref<2x320000xi32, #tpu.memory_space<hbm>>, %arg4: memref<10000x128xf32, #tpu.memory_space<hbm>>, %arg5: memref<2x10000x128xf32, #tpu.memory_space<hbm>>, %arg6: memref<2x128xi32, #tpu.memory_space<vmem>>, %arg7: memref<2x128xi32, #tpu.memory_space<vmem>>, %arg8: memref<2x128xi32, #tpu.memory_space<vmem>>, %arg9: memref<128x128xf32, #tpu.memory_space<vmem>>, %arg10: memref<128x128xf32, #tpu.memory_space<vmem>>, %arg11: memref<128x128xf32, #tpu.memory_space<vmem>>, %arg12: memref<10000x128xf32, #tpu.memory_space<vmem_shared>>, %arg13: memref<!tpu.dma_semaphore, #tpu.memory_space<semaphore_mem>>, %arg14: memref<!tpu.dma_semaphore, #tpu.memory_space<semaphore_mem>>, %arg15: memref<!tpu.dma_semaphore, #tpu.memory_space<semaphore_mem>>, %arg16: memref<!tpu.dma_semaphore, #tpu.memory_space<semaphore_mem>>, %arg17: memref<!tpu.dma_semaphore, #tpu.memory_space<semaphore_mem>>, %arg18: memref<!tpu.dma_semaphore, #tpu.memory_space<semaphore_mem>>, %arg19: memref<!tpu.dma_semaphore, #tpu.memory_space<semaphore_mem>>, %arg20: memref<!tpu.dma_semaphore, #tpu.memory_space<semaphore_mem>>, %arg21: memref<!tpu.dma_semaphore, #tpu.memory_space<semaphore_mem>>, %arg22: memref<!tpu.dma_semaphore, #tpu.memory_space<semaphore_mem>>) attributes {dimension_semantics = [#tpu.dimension_semantics<core_parallel>, #tpu.dimension_semantics<subcore_parallel>], iteration_bounds = array<i64: 2, 16>, scalar_prefetch = 0 : i64, scratch_operands = 17 : i64, tpu.core_type = #tpu.core_type<sc_vector_subcore>, window_params = [{transform_indices = #map}, {transform_indices = #map}, {transform_indices = #map}, {transform_indices = #map1}]} {
    %mul3A = arith.constant 2 : i32
    %mul3A_0 = arith.muli %arg1, %mul3A : i32
    %add3A = arith.addi %mul3A_0, %arg0 : i32
    %lt3A = arith.constant 4 : i32
    %lt3A_1 = arith.cmpi slt, %add3A, %lt3A : i32
    %jit3A = arith.constant 1 : i32
    %jit3A_2 = arith.constant 0 : i32
    %select_n3A = arith.select %lt3A_1, %jit3A, %jit3A_2 : i32
    %add3A_3 = arith.constant 78 : i32
    %add3A_4 = arith.addi %add3A_3, %select_n3A : i32
    %mul3A_5 = arith.constant 624 : i32
    %mul3A_6 = arith.muli %arg1, %mul3A_5 : i32
    %multiple_of3A = tpu.assume_multiple %mul3A_6, 8 : i32
    %mul3A_7 = arith.constant 8 : i32
    %mul3A_8 = arith.muli %mul3A_7, %arg0 : i32
    %add3A_9 = arith.addi %arg1, %mul3A_8 : i32
    %jit3A_10 = arith.constant 16 : i32
    %eq3A = arith.constant 0 : i32
    %eq3A_11 = arith.cmpi eq, %jit3A_10, %eq3A : i32
    %jit3A_12 = arith.constant 1 : i32
    %select_n3A_13 = arith.select %eq3A_11, %jit3A_12, %jit3A_10 : i32
    %rem3A = arith.remsi %add3A_9, %select_n3A_13 : i32
    %ne3A = arith.constant 0 : i32
    %ne3A_14 = arith.cmpi ne, %rem3A, %ne3A : i32
    %lt3A_15 = arith.constant 0 : i32
    %lt3A_16 = arith.cmpi slt, %rem3A, %lt3A_15 : i32
    %lt3A_17 = arith.constant 0 : i32
    %lt3A_18 = arith.cmpi slt, %select_n3A_13, %lt3A_17 : i32
    %ne3A_19 = arith.xori %lt3A_16, %lt3A_18 : i1
    %and3A = arith.andi %ne3A_19, %ne3A_14 : i1
    %add3A_20 = arith.addi %rem3A, %select_n3A_13 : i32
    %select_n3A_21 = arith.select %and3A, %add3A_20, %rem3A : i32
    %mul3A_22 = arith.constant 624 : i32
    %mul3A_23 = arith.muli %select_n3A_21, %mul3A_22 : i32
    %multiple_of3A_24 = tpu.assume_multiple %mul3A_23, 8 : i32
    %eq3A_25 = arith.constant 15 : i32
    %eq3A_26 = arith.cmpi eq, %arg1, %eq3A_25 : i32
    %add3A_27 = arith.constant 0 : i32
    %add3A_28 = arith.addi %add3A_27, %add3A : i32
    %mul3A_29 = arith.constant 128 : i32
    %mul3A_30 = arith.muli %add3A_28, %mul3A_29 : i32
    %multiple_of3A_31 = tpu.assume_multiple %mul3A_30, 128 : i32
    %dma_start3A = arith.constant 0 : i32
    %dma_start3A_32 = arith.constant 0 : i32
    %dma_start3A_33 = arith.constant 0 : i32
    %dma_start3A_34 = tpu.memref_slice %arg6[%dma_start3A_32, %dma_start3A_33] : memref<2x128xi32, #tpu.memory_space<vmem>> -> memref<1x128xi32, #tpu.memory_space<vmem>>
    %dma_start3A_35 = tpu.memref_squeeze %dma_start3A_34 : memref<1x128xi32, #tpu.memory_space<vmem>> -> memref<128xi32, #tpu.memory_space<vmem>>
    %dma_start3A_36 = tpu.memref_slice %arg3[%dma_start3A, %multiple_of3A_31] : memref<2x320000xi32, #tpu.memory_space<hbm>> -> memref<1x128xi32, #tpu.memory_space<hbm>>
    %dma_start3A_37 = tpu.memref_squeeze %dma_start3A_36 : memref<1x128xi32, #tpu.memory_space<hbm>> -> memref<128xi32, #tpu.memory_space<hbm>>
    %dma_start3A_38 = arith.constant 0 : i32
    %dma_start3A_39 = tpu.memref_slice %arg6[%dma_start3A_32, %dma_start3A_38] : memref<2x128xi32, #tpu.memory_space<vmem>> -> memref<1x128xi32, #tpu.memory_space<vmem>>
    %dma_start3A_40 = tpu.memref_squeeze %dma_start3A_39 : memref<1x128xi32, #tpu.memory_space<vmem>> -> memref<128xi32, #tpu.memory_space<vmem>>
    %dma_start3A_41 = tpu.memref_slice %arg3[%dma_start3A, %multiple_of3A_31] : memref<2x320000xi32, #tpu.memory_space<hbm>> -> memref<1x128xi32, #tpu.memory_space<hbm>>
    %dma_start3A_42 = tpu.memref_squeeze %dma_start3A_41 : memref<1x128xi32, #tpu.memory_space<hbm>> -> memref<128xi32, #tpu.memory_space<hbm>>
    tpu.enqueue_dma source(%dma_start3A_42 : memref<128xi32, #tpu.memory_space<hbm>>) target(%dma_start3A_40 : memref<128xi32, #tpu.memory_space<vmem>>) target_semaphore(%arg13 : memref<!tpu.dma_semaphore, #tpu.memory_space<semaphore_mem>>)
    %dma_start3A_43 = arith.constant 1 : i32
    %dma_start3A_44 = arith.constant 1 : i32
    %dma_start3A_45 = arith.constant 0 : i32
    %dma_start3A_46 = tpu.memref_slice %arg6[%dma_start3A_44, %dma_start3A_45] : memref<2x128xi32, #tpu.memory_space<vmem>> -> memref<1x128xi32, #tpu.memory_space<vmem>>
    %dma_start3A_47 = tpu.memref_squeeze %dma_start3A_46 : memref<1x128xi32, #tpu.memory_space<vmem>> -> memref<128xi32, #tpu.memory_space<vmem>>
    %dma_start3A_48 = tpu.memref_slice %arg3[%dma_start3A_43, %multiple_of3A_31] : memref<2x320000xi32, #tpu.memory_space<hbm>> -> memref<1x128xi32, #tpu.memory_space<hbm>>
    %dma_start3A_49 = tpu.memref_squeeze %dma_start3A_48 : memref<1x128xi32, #tpu.memory_space<hbm>> -> memref<128xi32, #tpu.memory_space<hbm>>
    %dma_start3A_50 = arith.constant 0 : i32
    %dma_start3A_51 = tpu.memref_slice %arg6[%dma_start3A_44, %dma_start3A_50] : memref<2x128xi32, #tpu.memory_space<vmem>> -> memref<1x128xi32, #tpu.memory_space<vmem>>
    %dma_start3A_52 = tpu.memref_squeeze %dma_start3A_51 : memref<1x128xi32, #tpu.memory_space<vmem>> -> memref<128xi32, #tpu.memory_space<vmem>>
    %dma_start3A_53 = tpu.memref_slice %arg3[%dma_start3A_43, %multiple_of3A_31] : memref<2x320000xi32, #tpu.memory_space<hbm>> -> memref<1x128xi32, #tpu.memory_space<hbm>>
    %dma_start3A_54 = tpu.memref_squeeze %dma_start3A_53 : memref<1x128xi32, #tpu.memory_space<hbm>> -> memref<128xi32, #tpu.memory_space<hbm>>
    tpu.enqueue_dma source(%dma_start3A_54 : memref<128xi32, #tpu.memory_space<hbm>>) target(%dma_start3A_52 : memref<128xi32, #tpu.memory_space<vmem>>) target_semaphore(%arg13 : memref<!tpu.dma_semaphore, #tpu.memory_space<semaphore_mem>>)
    %add3A_55 = arith.constant 32 : i32
    %add3A_56 = arith.addi %add3A_55, %add3A : i32
    %mul3A_57 = arith.constant 128 : i32
    %mul3A_58 = arith.muli %add3A_56, %mul3A_57 : i32
    %multiple_of3A_59 = tpu.assume_multiple %mul3A_58, 128 : i32
    %dma_start3A_60 = arith.constant 0 : i32
    %dma_start3A_61 = arith.constant 0 : i32
    %dma_start3A_62 = arith.constant 0 : i32
    %dma_start3A_63 = tpu.memref_slice %arg7[%dma_start3A_61, %dma_start3A_62] : memref<2x128xi32, #tpu.memory_space<vmem>> -> memref<1x128xi32, #tpu.memory_space<vmem>>
    %dma_start3A_64 = tpu.memref_squeeze %dma_start3A_63 : memref<1x128xi32, #tpu.memory_space<vmem>> -> memref<128xi32, #tpu.memory_space<vmem>>
    %dma_start3A_65 = tpu.memref_slice %arg3[%dma_start3A_60, %multiple_of3A_59] : memref<2x320000xi32, #tpu.memory_space<hbm>> -> memref<1x128xi32, #tpu.memory_space<hbm>>
    %dma_start3A_66 = tpu.memref_squeeze %dma_start3A_65 : memref<1x128xi32, #tpu.memory_space<hbm>> -> memref<128xi32, #tpu.memory_space<hbm>>
    %dma_start3A_67 = arith.constant 0 : i32
    %dma_start3A_68 = tpu.memref_slice %arg7[%dma_start3A_61, %dma_start3A_67] : memref<2x128xi32, #tpu.memory_space<vmem>> -> memref<1x128xi32, #tpu.memory_space<vmem>>
    %dma_start3A_69 = tpu.memref_squeeze %dma_start3A_68 : memref<1x128xi32, #tpu.memory_space<vmem>> -> memref<128xi32, #tpu.memory_space<vmem>>
    %dma_start3A_70 = tpu.memref_slice %arg3[%dma_start3A_60, %multiple_of3A_59] : memref<2x320000xi32, #tpu.memory_space<hbm>> -> memref<1x128xi32, #tpu.memory_space<hbm>>
    %dma_start3A_71 = tpu.memref_squeeze %dma_start3A_70 : memref<1x128xi32, #tpu.memory_space<hbm>> -> memref<128xi32, #tpu.memory_space<hbm>>
    tpu.enqueue_dma source(%dma_start3A_71 : memref<128xi32, #tpu.memory_space<hbm>>) target(%dma_start3A_69 : memref<128xi32, #tpu.memory_space<vmem>>) target_semaphore(%arg14 : memref<!tpu.dma_semaphore, #tpu.memory_space<semaphore_mem>>)
    %dma_start3A_72 = arith.constant 1 : i32
    %dma_start3A_73 = arith.constant 1 : i32
    %dma_start3A_74 = arith.constant 0 : i32
    %dma_start3A_75 = tpu.memref_slice %arg7[%dma_start3A_73, %dma_start3A_74] : memref<2x128xi32, #tpu.memory_space<vmem>> -> memref<1x128xi32, #tpu.memory_space<vmem>>
    %dma_start3A_76 = tpu.memref_squeeze %dma_start3A_75 : memref<1x128xi32, #tpu.memory_space<vmem>> -> memref<128xi32, #tpu.memory_space<vmem>>
    %dma_start3A_77 = tpu.memref_slice %arg3[%dma_start3A_72, %multiple_of3A_59] : memref<2x320000xi32, #tpu.memory_space<hbm>> -> memref<1x128xi32, #tpu.memory_space<hbm>>
    %dma_start3A_78 = tpu.memref_squeeze %dma_start3A_77 : memref<1x128xi32, #tpu.memory_space<hbm>> -> memref<128xi32, #tpu.memory_space<hbm>>
    %dma_start3A_79 = arith.constant 0 : i32
    %dma_start3A_80 = tpu.memref_slice %arg7[%dma_start3A_73, %dma_start3A_79] : memref<2x128xi32, #tpu.memory_space<vmem>> -> memref<1x128xi32, #tpu.memory_space<vmem>>
    %dma_start3A_81 = tpu.memref_squeeze %dma_start3A_80 : memref<1x128xi32, #tpu.memory_space<vmem>> -> memref<128xi32, #tpu.memory_space<vmem>>
    %dma_start3A_82 = tpu.memref_slice %arg3[%dma_start3A_72, %multiple_of3A_59] : memref<2x320000xi32, #tpu.memory_space<hbm>> -> memref<1x128xi32, #tpu.memory_space<hbm>>
    %dma_start3A_83 = tpu.memref_squeeze %dma_start3A_82 : memref<1x128xi32, #tpu.memory_space<hbm>> -> memref<128xi32, #tpu.memory_space<hbm>>
    tpu.enqueue_dma source(%dma_start3A_83 : memref<128xi32, #tpu.memory_space<hbm>>) target(%dma_start3A_81 : memref<128xi32, #tpu.memory_space<vmem>>) target_semaphore(%arg14 : memref<!tpu.dma_semaphore, #tpu.memory_space<semaphore_mem>>)
    %add3A_84 = arith.constant 64 : i32
    %add3A_85 = arith.addi %add3A_84, %add3A : i32
    %mul3A_86 = arith.constant 128 : i32
    %mul3A_87 = arith.muli %add3A_85, %mul3A_86 : i32
    %multiple_of3A_88 = tpu.assume_multiple %mul3A_87, 128 : i32
    %dma_start3A_89 = arith.constant 0 : i32
    %dma_start3A_90 = arith.constant 0 : i32
    %dma_start3A_91 = arith.constant 0 : i32
    %dma_start3A_92 = tpu.memref_slice %arg8[%dma_start3A_90, %dma_start3A_91] : memref<2x128xi32, #tpu.memory_space<vmem>> -> memref<1x128xi32, #tpu.memory_space<vmem>>
    %dma_start3A_93 = tpu.memref_squeeze %dma_start3A_92 : memref<1x128xi32, #tpu.memory_space<vmem>> -> memref<128xi32, #tpu.memory_space<vmem>>
    %dma_start3A_94 = tpu.memref_slice %arg3[%dma_start3A_89, %multiple_of3A_88] : memref<2x320000xi32, #tpu.memory_space<hbm>> -> memref<1x128xi32, #tpu.memory_space<hbm>>
    %dma_start3A_95 = tpu.memref_squeeze %dma_start3A_94 : memref<1x128xi32, #tpu.memory_space<hbm>> -> memref<128xi32, #tpu.memory_space<hbm>>
    %dma_start3A_96 = arith.constant 0 : i32
    %dma_start3A_97 = tpu.memref_slice %arg8[%dma_start3A_90, %dma_start3A_96] : memref<2x128xi32, #tpu.memory_space<vmem>> -> memref<1x128xi32, #tpu.memory_space<vmem>>
    %dma_start3A_98 = tpu.memref_squeeze %dma_start3A_97 : memref<1x128xi32, #tpu.memory_space<vmem>> -> memref<128xi32, #tpu.memory_space<vmem>>
    %dma_start3A_99 = tpu.memref_slice %arg3[%dma_start3A_89, %multiple_of3A_88] : memref<2x320000xi32, #tpu.memory_space<hbm>> -> memref<1x128xi32, #tpu.memory_space<hbm>>
    %dma_start3A_100 = tpu.memref_squeeze %dma_start3A_99 : memref<1x128xi32, #tpu.memory_space<hbm>> -> memref<128xi32, #tpu.memory_space<hbm>>
    tpu.enqueue_dma source(%dma_start3A_100 : memref<128xi32, #tpu.memory_space<hbm>>) target(%dma_start3A_98 : memref<128xi32, #tpu.memory_space<vmem>>) target_semaphore(%arg15 : memref<!tpu.dma_semaphore, #tpu.memory_space<semaphore_mem>>)
    %dma_start3A_101 = arith.constant 1 : i32
    %dma_start3A_102 = arith.constant 1 : i32
    %dma_start3A_103 = arith.constant 0 : i32
    %dma_start3A_104 = tpu.memref_slice %arg8[%dma_start3A_102, %dma_start3A_103] : memref<2x128xi32, #tpu.memory_space<vmem>> -> memref<1x128xi32, #tpu.memory_space<vmem>>
    %dma_start3A_105 = tpu.memref_squeeze %dma_start3A_104 : memref<1x128xi32, #tpu.memory_space<vmem>> -> memref<128xi32, #tpu.memory_space<vmem>>
    %dma_start3A_106 = tpu.memref_slice %arg3[%dma_start3A_101, %multiple_of3A_88] : memref<2x320000xi32, #tpu.memory_space<hbm>> -> memref<1x128xi32, #tpu.memory_space<hbm>>
    %dma_start3A_107 = tpu.memref_squeeze %dma_start3A_106 : memref<1x128xi32, #tpu.memory_space<hbm>> -> memref<128xi32, #tpu.memory_space<hbm>>
    %dma_start3A_108 = arith.constant 0 : i32
    %dma_start3A_109 = tpu.memref_slice %arg8[%dma_start3A_102, %dma_start3A_108] : memref<2x128xi32, #tpu.memory_space<vmem>> -> memref<1x128xi32, #tpu.memory_space<vmem>>
    %dma_start3A_110 = tpu.memref_squeeze %dma_start3A_109 : memref<1x128xi32, #tpu.memory_space<vmem>> -> memref<128xi32, #tpu.memory_space<vmem>>
    %dma_start3A_111 = tpu.memref_slice %arg3[%dma_start3A_101, %multiple_of3A_88] : memref<2x320000xi32, #tpu.memory_space<hbm>> -> memref<1x128xi32, #tpu.memory_space<hbm>>
    %dma_start3A_112 = tpu.memref_squeeze %dma_start3A_111 : memref<1x128xi32, #tpu.memory_space<hbm>> -> memref<128xi32, #tpu.memory_space<hbm>>
    tpu.enqueue_dma source(%dma_start3A_112 : memref<128xi32, #tpu.memory_space<hbm>>) target(%dma_start3A_110 : memref<128xi32, #tpu.memory_space<vmem>>) target_semaphore(%arg15 : memref<!tpu.dma_semaphore, #tpu.memory_space<semaphore_mem>>)
    %convert_element_type3A = arith.extui %eq3A_26 : i1 to i32
    %cond3A = arith.constant 0 : i32
    %cond3A_113 = arith.cmpi ne, %convert_element_type3A, %cond3A : i32
    scf.if %cond3A_113 {
      %dma_start3A_236 = arith.constant 0 : i32
      %dma_start3A_237 = tpu.memref_slice %arg12[%multiple_of3A, %dma_start3A_236] : memref<10000x128xf32, #tpu.memory_space<vmem_shared>> -> memref<640x128xf32, #tpu.memory_space<vmem_shared>>
      %dma_start3A_238 = arith.constant 0 : i32
      %dma_start3A_239 = tpu.memref_slice %arg4[%multiple_of3A_24, %dma_start3A_238] : memref<10000x128xf32, #tpu.memory_space<hbm>> -> memref<640x128xf32, #tpu.memory_space<hbm>>
      tpu.enqueue_dma source(%dma_start3A_239 : memref<640x128xf32, #tpu.memory_space<hbm>>) target(%dma_start3A_237 : memref<640x128xf32, #tpu.memory_space<vmem_shared>>) target_semaphore(%arg22 : memref<!tpu.dma_semaphore, #tpu.memory_space<semaphore_mem>>)
    } else {
    }
    %not3A = arith.constant true
    %not3A_114 = arith.xori %eq3A_26, %not3A : i1
    %convert_element_type3A_115 = arith.extui %not3A_114 : i1 to i32
    %cond3A_116 = arith.constant 0 : i32
    %cond3A_117 = arith.cmpi ne, %convert_element_type3A_115, %cond3A_116 : i32
    scf.if %cond3A_117 {
      %dma_start3A_236 = arith.constant 0 : i32
      %dma_start3A_237 = tpu.memref_slice %arg12[%multiple_of3A, %dma_start3A_236] : memref<10000x128xf32, #tpu.memory_space<vmem_shared>> -> memref<624x128xf32, #tpu.memory_space<vmem_shared>>
      %dma_start3A_238 = arith.constant 0 : i32
      %dma_start3A_239 = tpu.memref_slice %arg4[%multiple_of3A_24, %dma_start3A_238] : memref<10000x128xf32, #tpu.memory_space<hbm>> -> memref<624x128xf32, #tpu.memory_space<hbm>>
      tpu.enqueue_dma source(%dma_start3A_239 : memref<624x128xf32, #tpu.memory_space<hbm>>) target(%dma_start3A_237 : memref<624x128xf32, #tpu.memory_space<vmem_shared>>) target_semaphore(%arg22 : memref<!tpu.dma_semaphore, #tpu.memory_space<semaphore_mem>>)
    } else {
    }
    %add3A_118 = arith.constant 0 : i32
    %add3A_119 = arith.addi %add3A_118, %add3A : i32
    %mul3A_120 = arith.constant 128 : i32
    %mul3A_121 = arith.muli %add3A_119, %mul3A_120 : i32
    %multiple_of3A_122 = tpu.assume_multiple %mul3A_121, 128 : i32
    %dma_wait3A = arith.constant 0 : i32
    %dma_wait3A_123 = arith.constant 0 : i32
    %dma_wait3A_124 = arith.constant 0 : i32
    %dma_wait3A_125 = tpu.memref_slice %arg6[%dma_wait3A_123, %dma_wait3A_124] : memref<2x128xi32, #tpu.memory_space<vmem>> -> memref<1x128xi32, #tpu.memory_space<vmem>>
    %dma_wait3A_126 = tpu.memref_squeeze %dma_wait3A_125 : memref<1x128xi32, #tpu.memory_space<vmem>> -> memref<128xi32, #tpu.memory_space<vmem>>
    %dma_wait3A_127 = tpu.memref_slice %arg3[%dma_wait3A, %multiple_of3A_122] : memref<2x320000xi32, #tpu.memory_space<hbm>> -> memref<1x128xi32, #tpu.memory_space<hbm>>
    %dma_wait3A_128 = tpu.memref_squeeze %dma_wait3A_127 : memref<1x128xi32, #tpu.memory_space<hbm>> -> memref<128xi32, #tpu.memory_space<hbm>>
    %dma_wait3A_129 = arith.constant 0 : i32
    %dma_wait3A_130 = tpu.memref_slice %arg6[%dma_wait3A_123, %dma_wait3A_129] : memref<2x128xi32, #tpu.memory_space<vmem>> -> memref<1x128xi32, #tpu.memory_space<vmem>>
    %dma_wait3A_131 = tpu.memref_squeeze %dma_wait3A_130 : memref<1x128xi32, #tpu.memory_space<vmem>> -> memref<128xi32, #tpu.memory_space<vmem>>
    %dma_wait3A_132 = tpu.memref_slice %arg3[%dma_wait3A, %multiple_of3A_122] : memref<2x320000xi32, #tpu.memory_space<hbm>> -> memref<1x128xi32, #tpu.memory_space<hbm>>
    %dma_wait3A_133 = tpu.memref_squeeze %dma_wait3A_132 : memref<1x128xi32, #tpu.memory_space<hbm>> -> memref<128xi32, #tpu.memory_space<hbm>>
    tpu.wait_dma2 semaphore(%arg13 : memref<!tpu.dma_semaphore, #tpu.memory_space<semaphore_mem>>) src(%dma_wait3A_133 : memref<128xi32, #tpu.memory_space<hbm>>) dst(%dma_wait3A_131 : memref<128xi32, #tpu.memory_space<vmem>>)
    %dma_wait3A_134 = arith.constant 1 : i32
    %dma_wait3A_135 = arith.constant 1 : i32
    %dma_wait3A_136 = arith.constant 0 : i32
    %dma_wait3A_137 = tpu.memref_slice %arg6[%dma_wait3A_135, %dma_wait3A_136] : memref<2x128xi32, #tpu.memory_space<vmem>> -> memref<1x128xi32, #tpu.memory_space<vmem>>
    %dma_wait3A_138 = tpu.memref_squeeze %dma_wait3A_137 : memref<1x128xi32, #tpu.memory_space<vmem>> -> memref<128xi32, #tpu.memory_space<vmem>>
    %dma_wait3A_139 = tpu.memref_slice %arg3[%dma_wait3A_134, %multiple_of3A_122] : memref<2x320000xi32, #tpu.memory_space<hbm>> -> memref<1x128xi32, #tpu.memory_space<hbm>>
    %dma_wait3A_140 = tpu.memref_squeeze %dma_wait3A_139 : memref<1x128xi32, #tpu.memory_space<hbm>> -> memref<128xi32, #tpu.memory_space<hbm>>
    %dma_wait3A_141 = arith.constant 0 : i32
    %dma_wait3A_142 = tpu.memref_slice %arg6[%dma_wait3A_135, %dma_wait3A_141] : memref<2x128xi32, #tpu.memory_space<vmem>> -> memref<1x128xi32, #tpu.memory_space<vmem>>
    %dma_wait3A_143 = tpu.memref_squeeze %dma_wait3A_142 : memref<1x128xi32, #tpu.memory_space<vmem>> -> memref<128xi32, #tpu.memory_space<vmem>>
    %dma_wait3A_144 = tpu.memref_slice %arg3[%dma_wait3A_134, %multiple_of3A_122] : memref<2x320000xi32, #tpu.memory_space<hbm>> -> memref<1x128xi32, #tpu.memory_space<hbm>>
    %dma_wait3A_145 = tpu.memref_squeeze %dma_wait3A_144 : memref<1x128xi32, #tpu.memory_space<hbm>> -> memref<128xi32, #tpu.memory_space<hbm>>
    tpu.wait_dma2 semaphore(%arg13 : memref<!tpu.dma_semaphore, #tpu.memory_space<semaphore_mem>>) src(%dma_wait3A_145 : memref<128xi32, #tpu.memory_space<hbm>>) dst(%dma_wait3A_143 : memref<128xi32, #tpu.memory_space<vmem>>)
    %dma_start3A_146 = arith.constant 0 : i32
    %dma_start3A_147 = arith.constant 0 : i32
    %dma_start3A_148 = tpu.memref_slice %arg6[%dma_start3A_146, %dma_start3A_147] : memref<2x128xi32, #tpu.memory_space<vmem>> -> memref<1x128xi32, #tpu.memory_space<vmem>>
    %dma_start3A_149 = tpu.memref_squeeze %dma_start3A_148 : memref<1x128xi32, #tpu.memory_space<vmem>> -> memref<128xi32, #tpu.memory_space<vmem>>
    %dma_start3A_150 = arith.constant 0 : i32
    %dma_start3A_151 = arith.constant 0 : i32
    %dma_start3A_152 = tpu.memref_slice %arg2[%dma_start3A_150, %dma_start3A_151] : memref<10000x128xf32, #tpu.memory_space<hbm>> -> memref<10000x128xf32, #tpu.memory_space<hbm>>
    tpu.enqueue_indirect_dma source(%dma_start3A_152 : memref<10000x128xf32, #tpu.memory_space<hbm>>) target(%arg9 : memref<128x128xf32, #tpu.memory_space<vmem>>) offsets(%dma_start3A_149 : memref<128xi32, #tpu.memory_space<vmem>>) semaphore(%arg16 : memref<!tpu.dma_semaphore, #tpu.memory_space<semaphore_mem>>)
    %add3A_153 = arith.constant 32 : i32
    %add3A_154 = arith.addi %add3A_153, %add3A : i32
    %mul3A_155 = arith.constant 128 : i32
    %mul3A_156 = arith.muli %add3A_154, %mul3A_155 : i32
    %multiple_of3A_157 = tpu.assume_multiple %mul3A_156, 128 : i32
    %dma_wait3A_158 = arith.constant 0 : i32
    %dma_wait3A_159 = arith.constant 0 : i32
    %dma_wait3A_160 = arith.constant 0 : i32
    %dma_wait3A_161 = tpu.memref_slice %arg7[%dma_wait3A_159, %dma_wait3A_160] : memref<2x128xi32, #tpu.memory_space<vmem>> -> memref<1x128xi32, #tpu.memory_space<vmem>>
    %dma_wait3A_162 = tpu.memref_squeeze %dma_wait3A_161 : memref<1x128xi32, #tpu.memory_space<vmem>> -> memref<128xi32, #tpu.memory_space<vmem>>
    %dma_wait3A_163 = tpu.memref_slice %arg3[%dma_wait3A_158, %multiple_of3A_157] : memref<2x320000xi32, #tpu.memory_space<hbm>> -> memref<1x128xi32, #tpu.memory_space<hbm>>
    %dma_wait3A_164 = tpu.memref_squeeze %dma_wait3A_163 : memref<1x128xi32, #tpu.memory_space<hbm>> -> memref<128xi32, #tpu.memory_space<hbm>>
    %dma_wait3A_165 = arith.constant 0 : i32
    %dma_wait3A_166 = tpu.memref_slice %arg7[%dma_wait3A_159, %dma_wait3A_165] : memref<2x128xi32, #tpu.memory_space<vmem>> -> memref<1x128xi32, #tpu.memory_space<vmem>>
    %dma_wait3A_167 = tpu.memref_squeeze %dma_wait3A_166 : memref<1x128xi32, #tpu.memory_space<vmem>> -> memref<128xi32, #tpu.memory_space<vmem>>
    %dma_wait3A_168 = tpu.memref_slice %arg3[%dma_wait3A_158, %multiple_of3A_157] : memref<2x320000xi32, #tpu.memory_space<hbm>> -> memref<1x128xi32, #tpu.memory_space<hbm>>
    %dma_wait3A_169 = tpu.memref_squeeze %dma_wait3A_168 : memref<1x128xi32, #tpu.memory_space<hbm>> -> memref<128xi32, #tpu.memory_space<hbm>>
    tpu.wait_dma2 semaphore(%arg14 : memref<!tpu.dma_semaphore, #tpu.memory_space<semaphore_mem>>) src(%dma_wait3A_169 : memref<128xi32, #tpu.memory_space<hbm>>) dst(%dma_wait3A_167 : memref<128xi32, #tpu.memory_space<vmem>>)
    %dma_wait3A_170 = arith.constant 1 : i32
    %dma_wait3A_171 = arith.constant 1 : i32
    %dma_wait3A_172 = arith.constant 0 : i32
    %dma_wait3A_173 = tpu.memref_slice %arg7[%dma_wait3A_171, %dma_wait3A_172] : memref<2x128xi32, #tpu.memory_space<vmem>> -> memref<1x128xi32, #tpu.memory_space<vmem>>
    %dma_wait3A_174 = tpu.memref_squeeze %dma_wait3A_173 : memref<1x128xi32, #tpu.memory_space<vmem>> -> memref<128xi32, #tpu.memory_space<vmem>>
    %dma_wait3A_175 = tpu.memref_slice %arg3[%dma_wait3A_170, %multiple_of3A_157] : memref<2x320000xi32, #tpu.memory_space<hbm>> -> memref<1x128xi32, #tpu.memory_space<hbm>>
    %dma_wait3A_176 = tpu.memref_squeeze %dma_wait3A_175 : memref<1x128xi32, #tpu.memory_space<hbm>> -> memref<128xi32, #tpu.memory_space<hbm>>
    %dma_wait3A_177 = arith.constant 0 : i32
    %dma_wait3A_178 = tpu.memref_slice %arg7[%dma_wait3A_171, %dma_wait3A_177] : memref<2x128xi32, #tpu.memory_space<vmem>> -> memref<1x128xi32, #tpu.memory_space<vmem>>
    %dma_wait3A_179 = tpu.memref_squeeze %dma_wait3A_178 : memref<1x128xi32, #tpu.memory_space<vmem>> -> memref<128xi32, #tpu.memory_space<vmem>>
    %dma_wait3A_180 = tpu.memref_slice %arg3[%dma_wait3A_170, %multiple_of3A_157] : memref<2x320000xi32, #tpu.memory_space<hbm>> -> memref<1x128xi32, #tpu.memory_space<hbm>>
    %dma_wait3A_181 = tpu.memref_squeeze %dma_wait3A_180 : memref<1x128xi32, #tpu.memory_space<hbm>> -> memref<128xi32, #tpu.memory_space<hbm>>
    tpu.wait_dma2 semaphore(%arg14 : memref<!tpu.dma_semaphore, #tpu.memory_space<semaphore_mem>>) src(%dma_wait3A_181 : memref<128xi32, #tpu.memory_space<hbm>>) dst(%dma_wait3A_179 : memref<128xi32, #tpu.memory_space<vmem>>)
    %dma_start3A_182 = arith.constant 0 : i32
    %dma_start3A_183 = arith.constant 0 : i32
    %dma_start3A_184 = tpu.memref_slice %arg7[%dma_start3A_182, %dma_start3A_183] : memref<2x128xi32, #tpu.memory_space<vmem>> -> memref<1x128xi32, #tpu.memory_space<vmem>>
    %dma_start3A_185 = tpu.memref_squeeze %dma_start3A_184 : memref<1x128xi32, #tpu.memory_space<vmem>> -> memref<128xi32, #tpu.memory_space<vmem>>
    %dma_start3A_186 = arith.constant 0 : i32
    %dma_start3A_187 = arith.constant 0 : i32
    %dma_start3A_188 = tpu.memref_slice %arg2[%dma_start3A_186, %dma_start3A_187] : memref<10000x128xf32, #tpu.memory_space<hbm>> -> memref<10000x128xf32, #tpu.memory_space<hbm>>
    tpu.enqueue_indirect_dma source(%dma_start3A_188 : memref<10000x128xf32, #tpu.memory_space<hbm>>) target(%arg10 : memref<128x128xf32, #tpu.memory_space<vmem>>) offsets(%dma_start3A_185 : memref<128xi32, #tpu.memory_space<vmem>>) semaphore(%arg17 : memref<!tpu.dma_semaphore, #tpu.memory_space<semaphore_mem>>)
    %convert_element_type3A_189 = arith.extui %eq3A_26 : i1 to i32
    %cond3A_190 = arith.constant 0 : i32
    %cond3A_191 = arith.cmpi ne, %convert_element_type3A_189, %cond3A_190 : i32
    scf.if %cond3A_191 {
      %dma_wait3A_236 = arith.constant 0 : i32
      %dma_wait3A_237 = tpu.memref_slice %arg12[%multiple_of3A, %dma_wait3A_236] : memref<10000x128xf32, #tpu.memory_space<vmem_shared>> -> memref<640x128xf32, #tpu.memory_space<vmem_shared>>
      %dma_wait3A_238 = arith.constant 0 : i32
      %dma_wait3A_239 = tpu.memref_slice %arg4[%multiple_of3A_24, %dma_wait3A_238] : memref<10000x128xf32, #tpu.memory_space<hbm>> -> memref<640x128xf32, #tpu.memory_space<hbm>>
      tpu.wait_dma2 semaphore(%arg22 : memref<!tpu.dma_semaphore, #tpu.memory_space<semaphore_mem>>) src(%dma_wait3A_239 : memref<640x128xf32, #tpu.memory_space<hbm>>) dst(%dma_wait3A_237 : memref<640x128xf32, #tpu.memory_space<vmem_shared>>)
    } else {
    }
    %not3A_192 = arith.constant true
    %not3A_193 = arith.xori %eq3A_26, %not3A_192 : i1
    %convert_element_type3A_194 = arith.extui %not3A_193 : i1 to i32
    %cond3A_195 = arith.constant 0 : i32
    %cond3A_196 = arith.cmpi ne, %convert_element_type3A_194, %cond3A_195 : i32
    scf.if %cond3A_196 {
      %dma_wait3A_236 = arith.constant 0 : i32
      %dma_wait3A_237 = tpu.memref_slice %arg12[%multiple_of3A, %dma_wait3A_236] : memref<10000x128xf32, #tpu.memory_space<vmem_shared>> -> memref<624x128xf32, #tpu.memory_space<vmem_shared>>
      %dma_wait3A_238 = arith.constant 0 : i32
      %dma_wait3A_239 = tpu.memref_slice %arg4[%multiple_of3A_24, %dma_wait3A_238] : memref<10000x128xf32, #tpu.memory_space<hbm>> -> memref<624x128xf32, #tpu.memory_space<hbm>>
      tpu.wait_dma2 semaphore(%arg22 : memref<!tpu.dma_semaphore, #tpu.memory_space<semaphore_mem>>) src(%dma_wait3A_239 : memref<624x128xf32, #tpu.memory_space<hbm>>) dst(%dma_wait3A_237 : memref<624x128xf32, #tpu.memory_space<vmem_shared>>)
    } else {
    }
    %barrier3A = arith.constant 0 : index
    tpu.barrier barrier_id(%barrier3A)
    %scan3A = arith.constant 0 : i32
    %scan3A_197 = arith.constant 0 : i32
    %scan3A_198 = arith.constant 26 : i32
    %scan3A_199 = arith.addi %scan3A_197, %scan3A_198 : i32
    %scan3A_200 = arith.constant 1 : i32
    scf.for %scan3A_236 = %scan3A_197 to %scan3A_199 step %scan3A_200  : i32 {
      %mul3A_237 = arith.constant 3 : i32
      %mul3A_238 = arith.muli %mul3A_237, %scan3A_236 : i32
      %add3A_239 = arith.constant 0 : i32
      %add3A_240 = arith.addi %mul3A_238, %add3A_239 : i32
      %dma_wait3A_241 = arith.constant 0 : i32
      %dma_wait3A_242 = arith.constant 0 : i32
      %dma_wait3A_243 = tpu.memref_slice %arg6[%dma_wait3A_241, %dma_wait3A_242] : memref<2x128xi32, #tpu.memory_space<vmem>> -> memref<1x128xi32, #tpu.memory_space<vmem>>
      %dma_wait3A_244 = tpu.memref_squeeze %dma_wait3A_243 : memref<1x128xi32, #tpu.memory_space<vmem>> -> memref<128xi32, #tpu.memory_space<vmem>>
      %dma_wait3A_245 = arith.constant 0 : i32
      %dma_wait3A_246 = arith.constant 0 : i32
      %dma_wait3A_247 = tpu.memref_slice %arg2[%dma_wait3A_245, %dma_wait3A_246] : memref<10000x128xf32, #tpu.memory_space<hbm>> -> memref<10000x128xf32, #tpu.memory_space<hbm>>
      tpu.wait_indirect_dma semaphore(%arg16 : memref<!tpu.dma_semaphore, #tpu.memory_space<semaphore_mem>>) src(%dma_wait3A_247 : memref<10000x128xf32, #tpu.memory_space<hbm>>) dst(%arg9 : memref<128x128xf32, #tpu.memory_space<vmem>>)
      %add3A_248 = arith.constant 2 : i32
      %add3A_249 = arith.addi %add3A_240, %add3A_248 : i32
      %lt3A_250 = arith.cmpi slt, %add3A_249, %add3A_4 : i32
      %convert_element_type3A_251 = arith.extui %lt3A_250 : i1 to i32
      %cond3A_252 = arith.constant 0 : i32
      %cond3A_253 = arith.cmpi ne, %convert_element_type3A_251, %cond3A_252 : i32
      scf.if %cond3A_253 {
        %add3A_327 = arith.constant 2 : i32
        %add3A_328 = arith.addi %add3A_240, %add3A_327 : i32
        %mul3A_329 = arith.constant 32 : i32
        %mul3A_330 = arith.muli %add3A_328, %mul3A_329 : i32
        %add3A_331 = arith.addi %mul3A_330, %add3A : i32
        %mul3A_332 = arith.constant 128 : i32
        %mul3A_333 = arith.muli %add3A_331, %mul3A_332 : i32
        %multiple_of3A_334 = tpu.assume_multiple %mul3A_333, 128 : i32
        %dma_wait3A_335 = arith.constant 0 : i32
        %dma_wait3A_336 = arith.constant 0 : i32
        %dma_wait3A_337 = arith.constant 0 : i32
        %dma_wait3A_338 = tpu.memref_slice %arg8[%dma_wait3A_336, %dma_wait3A_337] : memref<2x128xi32, #tpu.memory_space<vmem>> -> memref<1x128xi32, #tpu.memory_space<vmem>>
        %dma_wait3A_339 = tpu.memref_squeeze %dma_wait3A_338 : memref<1x128xi32, #tpu.memory_space<vmem>> -> memref<128xi32, #tpu.memory_space<vmem>>
        %dma_wait3A_340 = tpu.memref_slice %arg3[%dma_wait3A_335, %multiple_of3A_334] : memref<2x320000xi32, #tpu.memory_space<hbm>> -> memref<1x128xi32, #tpu.memory_space<hbm>>
        %dma_wait3A_341 = tpu.memref_squeeze %dma_wait3A_340 : memref<1x128xi32, #tpu.memory_space<hbm>> -> memref<128xi32, #tpu.memory_space<hbm>>
        %dma_wait3A_342 = arith.constant 0 : i32
        %dma_wait3A_343 = tpu.memref_slice %arg8[%dma_wait3A_336, %dma_wait3A_342] : memref<2x128xi32, #tpu.memory_space<vmem>> -> memref<1x128xi32, #tpu.memory_space<vmem>>
        %dma_wait3A_344 = tpu.memref_squeeze %dma_wait3A_343 : memref<1x128xi32, #tpu.memory_space<vmem>> -> memref<128xi32, #tpu.memory_space<vmem>>
        %dma_wait3A_345 = tpu.memref_slice %arg3[%dma_wait3A_335, %multiple_of3A_334] : memref<2x320000xi32, #tpu.memory_space<hbm>> -> memref<1x128xi32, #tpu.memory_space<hbm>>
        %dma_wait3A_346 = tpu.memref_squeeze %dma_wait3A_345 : memref<1x128xi32, #tpu.memory_space<hbm>> -> memref<128xi32, #tpu.memory_space<hbm>>
        tpu.wait_dma2 semaphore(%arg15 : memref<!tpu.dma_semaphore, #tpu.memory_space<semaphore_mem>>) src(%dma_wait3A_346 : memref<128xi32, #tpu.memory_space<hbm>>) dst(%dma_wait3A_344 : memref<128xi32, #tpu.memory_space<vmem>>)
        %dma_wait3A_347 = arith.constant 1 : i32
        %dma_wait3A_348 = arith.constant 1 : i32
        %dma_wait3A_349 = arith.constant 0 : i32
        %dma_wait3A_350 = tpu.memref_slice %arg8[%dma_wait3A_348, %dma_wait3A_349] : memref<2x128xi32, #tpu.memory_space<vmem>> -> memref<1x128xi32, #tpu.memory_space<vmem>>
        %dma_wait3A_351 = tpu.memref_squeeze %dma_wait3A_350 : memref<1x128xi32, #tpu.memory_space<vmem>> -> memref<128xi32, #tpu.memory_space<vmem>>
        %dma_wait3A_352 = tpu.memref_slice %arg3[%dma_wait3A_347, %multiple_of3A_334] : memref<2x320000xi32, #tpu.memory_space<hbm>> -> memref<1x128xi32, #tpu.memory_space<hbm>>
        %dma_wait3A_353 = tpu.memref_squeeze %dma_wait3A_352 : memref<1x128xi32, #tpu.memory_space<hbm>> -> memref<128xi32, #tpu.memory_space<hbm>>
        %dma_wait3A_354 = arith.constant 0 : i32
        %dma_wait3A_355 = tpu.memref_slice %arg8[%dma_wait3A_348, %dma_wait3A_354] : memref<2x128xi32, #tpu.memory_space<vmem>> -> memref<1x128xi32, #tpu.memory_space<vmem>>
        %dma_wait3A_356 = tpu.memref_squeeze %dma_wait3A_355 : memref<1x128xi32, #tpu.memory_space<vmem>> -> memref<128xi32, #tpu.memory_space<vmem>>
        %dma_wait3A_357 = tpu.memref_slice %arg3[%dma_wait3A_347, %multiple_of3A_334] : memref<2x320000xi32, #tpu.memory_space<hbm>> -> memref<1x128xi32, #tpu.memory_space<hbm>>
        %dma_wait3A_358 = tpu.memref_squeeze %dma_wait3A_357 : memref<1x128xi32, #tpu.memory_space<hbm>> -> memref<128xi32, #tpu.memory_space<hbm>>
        tpu.wait_dma2 semaphore(%arg15 : memref<!tpu.dma_semaphore, #tpu.memory_space<semaphore_mem>>) src(%dma_wait3A_358 : memref<128xi32, #tpu.memory_space<hbm>>) dst(%dma_wait3A_356 : memref<128xi32, #tpu.memory_space<vmem>>)
        %ge3A = arith.constant 1 : i32
        %ge3A_359 = arith.cmpi sge, %add3A_240, %ge3A : i32
        %convert_element_type3A_360 = arith.extui %ge3A_359 : i1 to i32
        %cond3A_361 = arith.constant 0 : i32
        %cond3A_362 = arith.cmpi ne, %convert_element_type3A_360, %cond3A_361 : i32
        scf.if %cond3A_362 {
          %dma_wait3A_370 = arith.constant 1 : i32
          %dma_wait3A_371 = arith.constant 0 : i32
          %dma_wait3A_372 = tpu.memref_slice %arg8[%dma_wait3A_370, %dma_wait3A_371] : memref<2x128xi32, #tpu.memory_space<vmem>> -> memref<1x128xi32, #tpu.memory_space<vmem>>
          %dma_wait3A_373 = tpu.memref_squeeze %dma_wait3A_372 : memref<1x128xi32, #tpu.memory_space<vmem>> -> memref<128xi32, #tpu.memory_space<vmem>>
          %dma_wait3A_374 = arith.constant 0 : i32
          %dma_wait3A_375 = arith.constant 0 : i32
          %dma_wait3A_376 = tpu.memref_slice %arg12[%dma_wait3A_374, %dma_wait3A_375] : memref<10000x128xf32, #tpu.memory_space<vmem_shared>> -> memref<10000x128xf32, #tpu.memory_space<vmem_shared>>
          tpu.wait_indirect_dma semaphore(%arg21 : memref<!tpu.dma_semaphore, #tpu.memory_space<semaphore_mem>>) src(%arg11 : memref<128x128xf32, #tpu.memory_space<vmem>>) dst(%dma_wait3A_376 : memref<10000x128xf32, #tpu.memory_space<vmem_shared>>)
        } else {
        }
        %dma_start3A_363 = arith.constant 0 : i32
        %dma_start3A_364 = arith.constant 0 : i32
        %dma_start3A_365 = tpu.memref_slice %arg8[%dma_start3A_363, %dma_start3A_364] : memref<2x128xi32, #tpu.memory_space<vmem>> -> memref<1x128xi32, #tpu.memory_space<vmem>>
        %dma_start3A_366 = tpu.memref_squeeze %dma_start3A_365 : memref<1x128xi32, #tpu.memory_space<vmem>> -> memref<128xi32, #tpu.memory_space<vmem>>
        %dma_start3A_367 = arith.constant 0 : i32
        %dma_start3A_368 = arith.constant 0 : i32
        %dma_start3A_369 = tpu.memref_slice %arg2[%dma_start3A_367, %dma_start3A_368] : memref<10000x128xf32, #tpu.memory_space<hbm>> -> memref<10000x128xf32, #tpu.memory_space<hbm>>
        tpu.enqueue_indirect_dma source(%dma_start3A_369 : memref<10000x128xf32, #tpu.memory_space<hbm>>) target(%arg11 : memref<128x128xf32, #tpu.memory_space<vmem>>) offsets(%dma_start3A_366 : memref<128xi32, #tpu.memory_space<vmem>>) semaphore(%arg18 : memref<!tpu.dma_semaphore, #tpu.memory_space<semaphore_mem>>)
      } else {
      }
      %dma_start3A_254 = arith.constant 1 : i32
      %dma_start3A_255 = arith.constant 0 : i32
      %dma_start3A_256 = tpu.memref_slice %arg6[%dma_start3A_254, %dma_start3A_255] : memref<2x128xi32, #tpu.memory_space<vmem>> -> memref<1x128xi32, #tpu.memory_space<vmem>>
      %dma_start3A_257 = tpu.memref_squeeze %dma_start3A_256 : memref<1x128xi32, #tpu.memory_space<vmem>> -> memref<128xi32, #tpu.memory_space<vmem>>
      %dma_start3A_258 = arith.constant 0 : i32
      %dma_start3A_259 = arith.constant 0 : i32
      %dma_start3A_260 = tpu.memref_slice %arg12[%dma_start3A_258, %dma_start3A_259] : memref<10000x128xf32, #tpu.memory_space<vmem_shared>> -> memref<10000x128xf32, #tpu.memory_space<vmem_shared>>
      tpu.enqueue_indirect_dma source(%arg9 : memref<128x128xf32, #tpu.memory_space<vmem>>) target(%dma_start3A_260 : memref<10000x128xf32, #tpu.memory_space<vmem_shared>>) offsets(%dma_start3A_257 : memref<128xi32, #tpu.memory_space<vmem>>) semaphore(%arg19 : memref<!tpu.dma_semaphore, #tpu.memory_space<semaphore_mem>>) {add = true}
      %add3A_261 = arith.constant 3 : i32
      %add3A_262 = arith.addi %add3A_240, %add3A_261 : i32
      %lt3A_263 = arith.cmpi slt, %add3A_262, %add3A_4 : i32
      %convert_element_type3A_264 = arith.extui %lt3A_263 : i1 to i32
      %cond3A_265 = arith.constant 0 : i32
      %cond3A_266 = arith.cmpi ne, %convert_element_type3A_264, %cond3A_265 : i32
      scf.if %cond3A_266 {
        %add3A_327 = arith.constant 3 : i32
        %add3A_328 = arith.addi %add3A_240, %add3A_327 : i32
        %mul3A_329 = arith.constant 32 : i32
        %mul3A_330 = arith.muli %add3A_328, %mul3A_329 : i32
        %add3A_331 = arith.addi %mul3A_330, %add3A : i32
        %mul3A_332 = arith.constant 128 : i32
        %mul3A_333 = arith.muli %add3A_331, %mul3A_332 : i32
        %multiple_of3A_334 = tpu.assume_multiple %mul3A_333, 128 : i32
        %dma_start3A_335 = arith.constant 0 : i32
        %dma_start3A_336 = arith.constant 0 : i32
        %dma_start3A_337 = arith.constant 0 : i32
        %dma_start3A_338 = tpu.memref_slice %arg6[%dma_start3A_336, %dma_start3A_337] : memref<2x128xi32, #tpu.memory_space<vmem>> -> memref<1x128xi32, #tpu.memory_space<vmem>>
        %dma_start3A_339 = tpu.memref_squeeze %dma_start3A_338 : memref<1x128xi32, #tpu.memory_space<vmem>> -> memref<128xi32, #tpu.memory_space<vmem>>
        %dma_start3A_340 = tpu.memref_slice %arg3[%dma_start3A_335, %multiple_of3A_334] : memref<2x320000xi32, #tpu.memory_space<hbm>> -> memref<1x128xi32, #tpu.memory_space<hbm>>
        %dma_start3A_341 = tpu.memref_squeeze %dma_start3A_340 : memref<1x128xi32, #tpu.memory_space<hbm>> -> memref<128xi32, #tpu.memory_space<hbm>>
        %dma_start3A_342 = arith.constant 0 : i32
        %dma_start3A_343 = tpu.memref_slice %arg6[%dma_start3A_336, %dma_start3A_342] : memref<2x128xi32, #tpu.memory_space<vmem>> -> memref<1x128xi32, #tpu.memory_space<vmem>>
        %dma_start3A_344 = tpu.memref_squeeze %dma_start3A_343 : memref<1x128xi32, #tpu.memory_space<vmem>> -> memref<128xi32, #tpu.memory_space<vmem>>
        %dma_start3A_345 = tpu.memref_slice %arg3[%dma_start3A_335, %multiple_of3A_334] : memref<2x320000xi32, #tpu.memory_space<hbm>> -> memref<1x128xi32, #tpu.memory_space<hbm>>
        %dma_start3A_346 = tpu.memref_squeeze %dma_start3A_345 : memref<1x128xi32, #tpu.memory_space<hbm>> -> memref<128xi32, #tpu.memory_space<hbm>>
        tpu.enqueue_dma source(%dma_start3A_346 : memref<128xi32, #tpu.memory_space<hbm>>) target(%dma_start3A_344 : memref<128xi32, #tpu.memory_space<vmem>>) target_semaphore(%arg13 : memref<!tpu.dma_semaphore, #tpu.memory_space<semaphore_mem>>)
        %dma_start3A_347 = arith.constant 1 : i32
        %dma_start3A_348 = arith.constant 1 : i32
        %dma_start3A_349 = arith.constant 0 : i32
        %dma_start3A_350 = tpu.memref_slice %arg6[%dma_start3A_348, %dma_start3A_349] : memref<2x128xi32, #tpu.memory_space<vmem>> -> memref<1x128xi32, #tpu.memory_space<vmem>>
        %dma_start3A_351 = tpu.memref_squeeze %dma_start3A_350 : memref<1x128xi32, #tpu.memory_space<vmem>> -> memref<128xi32, #tpu.memory_space<vmem>>
        %dma_start3A_352 = tpu.memref_slice %arg3[%dma_start3A_347, %multiple_of3A_334] : memref<2x320000xi32, #tpu.memory_space<hbm>> -> memref<1x128xi32, #tpu.memory_space<hbm>>
        %dma_start3A_353 = tpu.memref_squeeze %dma_start3A_352 : memref<1x128xi32, #tpu.memory_space<hbm>> -> memref<128xi32, #tpu.memory_space<hbm>>
        %dma_start3A_354 = arith.constant 0 : i32
        %dma_start3A_355 = tpu.memref_slice %arg6[%dma_start3A_348, %dma_start3A_354] : memref<2x128xi32, #tpu.memory_space<vmem>> -> memref<1x128xi32, #tpu.memory_space<vmem>>
        %dma_start3A_356 = tpu.memref_squeeze %dma_start3A_355 : memref<1x128xi32, #tpu.memory_space<vmem>> -> memref<128xi32, #tpu.memory_space<vmem>>
        %dma_start3A_357 = tpu.memref_slice %arg3[%dma_start3A_347, %multiple_of3A_334] : memref<2x320000xi32, #tpu.memory_space<hbm>> -> memref<1x128xi32, #tpu.memory_space<hbm>>
        %dma_start3A_358 = tpu.memref_squeeze %dma_start3A_357 : memref<1x128xi32, #tpu.memory_space<hbm>> -> memref<128xi32, #tpu.memory_space<hbm>>
        tpu.enqueue_dma source(%dma_start3A_358 : memref<128xi32, #tpu.memory_space<hbm>>) target(%dma_start3A_356 : memref<128xi32, #tpu.memory_space<vmem>>) target_semaphore(%arg13 : memref<!tpu.dma_semaphore, #tpu.memory_space<semaphore_mem>>)
      } else {
      }
      %mul3A_267 = arith.constant 3 : i32
      %mul3A_268 = arith.muli %mul3A_267, %scan3A_236 : i32
      %add3A_269 = arith.constant 1 : i32
      %add3A_270 = arith.addi %mul3A_268, %add3A_269 : i32
      %dma_wait3A_271 = arith.constant 0 : i32
      %dma_wait3A_272 = arith.constant 0 : i32
      %dma_wait3A_273 = tpu.memref_slice %arg7[%dma_wait3A_271, %dma_wait3A_272] : memref<2x128xi32, #tpu.memory_space<vmem>> -> memref<1x128xi32, #tpu.memory_space<vmem>>
      %dma_wait3A_274 = tpu.memref_squeeze %dma_wait3A_273 : memref<1x128xi32, #tpu.memory_space<vmem>> -> memref<128xi32, #tpu.memory_space<vmem>>
      %dma_wait3A_275 = arith.constant 0 : i32
      %dma_wait3A_276 = arith.constant 0 : i32
      %dma_wait3A_277 = tpu.memref_slice %arg2[%dma_wait3A_275, %dma_wait3A_276] : memref<10000x128xf32, #tpu.memory_space<hbm>> -> memref<10000x128xf32, #tpu.memory_space<hbm>>
      tpu.wait_indirect_dma semaphore(%arg17 : memref<!tpu.dma_semaphore, #tpu.memory_space<semaphore_mem>>) src(%dma_wait3A_277 : memref<10000x128xf32, #tpu.memory_space<hbm>>) dst(%arg10 : memref<128x128xf32, #tpu.memory_space<vmem>>)
      %add3A_278 = arith.constant 2 : i32
      %add3A_279 = arith.addi %add3A_270, %add3A_278 : i32
      %lt3A_280 = arith.cmpi slt, %add3A_279, %add3A_4 : i32
      %convert_element_type3A_281 = arith.extui %lt3A_280 : i1 to i32
      %cond3A_282 = arith.constant 0 : i32
      %cond3A_283 = arith.cmpi ne, %convert_element_type3A_281, %cond3A_282 : i32
      scf.if %cond3A_283 {
        %add3A_327 = arith.constant 2 : i32
        %add3A_328 = arith.addi %add3A_270, %add3A_327 : i32
        %mul3A_329 = arith.constant 32 : i32
        %mul3A_330 = arith.muli %add3A_328, %mul3A_329 : i32
        %add3A_331 = arith.addi %mul3A_330, %add3A : i32
        %mul3A_332 = arith.constant 128 : i32
        %mul3A_333 = arith.muli %add3A_331, %mul3A_332 : i32
        %multiple_of3A_334 = tpu.assume_multiple %mul3A_333, 128 : i32
        %dma_wait3A_335 = arith.constant 0 : i32
        %dma_wait3A_336 = arith.constant 0 : i32
        %dma_wait3A_337 = arith.constant 0 : i32
        %dma_wait3A_338 = tpu.memref_slice %arg6[%dma_wait3A_336, %dma_wait3A_337] : memref<2x128xi32, #tpu.memory_space<vmem>> -> memref<1x128xi32, #tpu.memory_space<vmem>>
        %dma_wait3A_339 = tpu.memref_squeeze %dma_wait3A_338 : memref<1x128xi32, #tpu.memory_space<vmem>> -> memref<128xi32, #tpu.memory_space<vmem>>
        %dma_wait3A_340 = tpu.memref_slice %arg3[%dma_wait3A_335, %multiple_of3A_334] : memref<2x320000xi32, #tpu.memory_space<hbm>> -> memref<1x128xi32, #tpu.memory_space<hbm>>
        %dma_wait3A_341 = tpu.memref_squeeze %dma_wait3A_340 : memref<1x128xi32, #tpu.memory_space<hbm>> -> memref<128xi32, #tpu.memory_space<hbm>>
        %dma_wait3A_342 = arith.constant 0 : i32
        %dma_wait3A_343 = tpu.memref_slice %arg6[%dma_wait3A_336, %dma_wait3A_342] : memref<2x128xi32, #tpu.memory_space<vmem>> -> memref<1x128xi32, #tpu.memory_space<vmem>>
        %dma_wait3A_344 = tpu.memref_squeeze %dma_wait3A_343 : memref<1x128xi32, #tpu.memory_space<vmem>> -> memref<128xi32, #tpu.memory_space<vmem>>
        %dma_wait3A_345 = tpu.memref_slice %arg3[%dma_wait3A_335, %multiple_of3A_334] : memref<2x320000xi32, #tpu.memory_space<hbm>> -> memref<1x128xi32, #tpu.memory_space<hbm>>
        %dma_wait3A_346 = tpu.memref_squeeze %dma_wait3A_345 : memref<1x128xi32, #tpu.memory_space<hbm>> -> memref<128xi32, #tpu.memory_space<hbm>>
        tpu.wait_dma2 semaphore(%arg13 : memref<!tpu.dma_semaphore, #tpu.memory_space<semaphore_mem>>) src(%dma_wait3A_346 : memref<128xi32, #tpu.memory_space<hbm>>) dst(%dma_wait3A_344 : memref<128xi32, #tpu.memory_space<vmem>>)
        %dma_wait3A_347 = arith.constant 1 : i32
        %dma_wait3A_348 = arith.constant 1 : i32
        %dma_wait3A_349 = arith.constant 0 : i32
        %dma_wait3A_350 = tpu.memref_slice %arg6[%dma_wait3A_348, %dma_wait3A_349] : memref<2x128xi32, #tpu.memory_space<vmem>> -> memref<1x128xi32, #tpu.memory_space<vmem>>
        %dma_wait3A_351 = tpu.memref_squeeze %dma_wait3A_350 : memref<1x128xi32, #tpu.memory_space<vmem>> -> memref<128xi32, #tpu.memory_space<vmem>>
        %dma_wait3A_352 = tpu.memref_slice %arg3[%dma_wait3A_347, %multiple_of3A_334] : memref<2x320000xi32, #tpu.memory_space<hbm>> -> memref<1x128xi32, #tpu.memory_space<hbm>>
        %dma_wait3A_353 = tpu.memref_squeeze %dma_wait3A_352 : memref<1x128xi32, #tpu.memory_space<hbm>> -> memref<128xi32, #tpu.memory_space<hbm>>
        %dma_wait3A_354 = arith.constant 0 : i32
        %dma_wait3A_355 = tpu.memref_slice %arg6[%dma_wait3A_348, %dma_wait3A_354] : memref<2x128xi32, #tpu.memory_space<vmem>> -> memref<1x128xi32, #tpu.memory_space<vmem>>
        %dma_wait3A_356 = tpu.memref_squeeze %dma_wait3A_355 : memref<1x128xi32, #tpu.memory_space<vmem>> -> memref<128xi32, #tpu.memory_space<vmem>>
        %dma_wait3A_357 = tpu.memref_slice %arg3[%dma_wait3A_347, %multiple_of3A_334] : memref<2x320000xi32, #tpu.memory_space<hbm>> -> memref<1x128xi32, #tpu.memory_space<hbm>>
        %dma_wait3A_358 = tpu.memref_squeeze %dma_wait3A_357 : memref<1x128xi32, #tpu.memory_space<hbm>> -> memref<128xi32, #tpu.memory_space<hbm>>
        tpu.wait_dma2 semaphore(%arg13 : memref<!tpu.dma_semaphore, #tpu.memory_space<semaphore_mem>>) src(%dma_wait3A_358 : memref<128xi32, #tpu.memory_space<hbm>>) dst(%dma_wait3A_356 : memref<128xi32, #tpu.memory_space<vmem>>)
        %ge3A = arith.constant 1 : i32
        %ge3A_359 = arith.cmpi sge, %add3A_270, %ge3A : i32
        %convert_element_type3A_360 = arith.extui %ge3A_359 : i1 to i32
        %cond3A_361 = arith.constant 0 : i32
        %cond3A_362 = arith.cmpi ne, %convert_element_type3A_360, %cond3A_361 : i32
        scf.if %cond3A_362 {
          %dma_wait3A_370 = arith.constant 1 : i32
          %dma_wait3A_371 = arith.constant 0 : i32
          %dma_wait3A_372 = tpu.memref_slice %arg6[%dma_wait3A_370, %dma_wait3A_371] : memref<2x128xi32, #tpu.memory_space<vmem>> -> memref<1x128xi32, #tpu.memory_space<vmem>>
          %dma_wait3A_373 = tpu.memref_squeeze %dma_wait3A_372 : memref<1x128xi32, #tpu.memory_space<vmem>> -> memref<128xi32, #tpu.memory_space<vmem>>
          %dma_wait3A_374 = arith.constant 0 : i32
          %dma_wait3A_375 = arith.constant 0 : i32
          %dma_wait3A_376 = tpu.memref_slice %arg12[%dma_wait3A_374, %dma_wait3A_375] : memref<10000x128xf32, #tpu.memory_space<vmem_shared>> -> memref<10000x128xf32, #tpu.memory_space<vmem_shared>>
          tpu.wait_indirect_dma semaphore(%arg19 : memref<!tpu.dma_semaphore, #tpu.memory_space<semaphore_mem>>) src(%arg9 : memref<128x128xf32, #tpu.memory_space<vmem>>) dst(%dma_wait3A_376 : memref<10000x128xf32, #tpu.memory_space<vmem_shared>>)
        } else {
        }
        %dma_start3A_363 = arith.constant 0 : i32
        %dma_start3A_364 = arith.constant 0 : i32
        %dma_start3A_365 = tpu.memref_slice %arg6[%dma_start3A_363, %dma_start3A_364] : memref<2x128xi32, #tpu.memory_space<vmem>> -> memref<1x128xi32, #tpu.memory_space<vmem>>
        %dma_start3A_366 = tpu.memref_squeeze %dma_start3A_365 : memref<1x128xi32, #tpu.memory_space<vmem>> -> memref<128xi32, #tpu.memory_space<vmem>>
        %dma_start3A_367 = arith.constant 0 : i32
        %dma_start3A_368 = arith.constant 0 : i32
        %dma_start3A_369 = tpu.memref_slice %arg2[%dma_start3A_367, %dma_start3A_368] : memref<10000x128xf32, #tpu.memory_space<hbm>> -> memref<10000x128xf32, #tpu.memory_space<hbm>>
        tpu.enqueue_indirect_dma source(%dma_start3A_369 : memref<10000x128xf32, #tpu.memory_space<hbm>>) target(%arg9 : memref<128x128xf32, #tpu.memory_space<vmem>>) offsets(%dma_start3A_366 : memref<128xi32, #tpu.memory_space<vmem>>) semaphore(%arg16 : memref<!tpu.dma_semaphore, #tpu.memory_space<semaphore_mem>>)
      } else {
      }
      %dma_start3A_284 = arith.constant 1 : i32
      %dma_start3A_285 = arith.constant 0 : i32
      %dma_start3A_286 = tpu.memref_slice %arg7[%dma_start3A_284, %dma_start3A_285] : memref<2x128xi32, #tpu.memory_space<vmem>> -> memref<1x128xi32, #tpu.memory_space<vmem>>
      %dma_start3A_287 = tpu.memref_squeeze %dma_start3A_286 : memref<1x128xi32, #tpu.memory_space<vmem>> -> memref<128xi32, #tpu.memory_space<vmem>>
      %dma_start3A_288 = arith.constant 0 : i32
      %dma_start3A_289 = arith.constant 0 : i32
      %dma_start3A_290 = tpu.memref_slice %arg12[%dma_start3A_288, %dma_start3A_289] : memref<10000x128xf32, #tpu.memory_space<vmem_shared>> -> memref<10000x128xf32, #tpu.memory_space<vmem_shared>>
      tpu.enqueue_indirect_dma source(%arg10 : memref<128x128xf32, #tpu.memory_space<vmem>>) target(%dma_start3A_290 : memref<10000x128xf32, #tpu.memory_space<vmem_shared>>) offsets(%dma_start3A_287 : memref<128xi32, #tpu.memory_space<vmem>>) semaphore(%arg20 : memref<!tpu.dma_semaphore, #tpu.memory_space<semaphore_mem>>) {add = true}
      %add3A_291 = arith.constant 3 : i32
      %add3A_292 = arith.addi %add3A_270, %add3A_291 : i32
      %lt3A_293 = arith.cmpi slt, %add3A_292, %add3A_4 : i32
      %convert_element_type3A_294 = arith.extui %lt3A_293 : i1 to i32
      %cond3A_295 = arith.constant 0 : i32
      %cond3A_296 = arith.cmpi ne, %convert_element_type3A_294, %cond3A_295 : i32
      scf.if %cond3A_296 {
        %add3A_327 = arith.constant 3 : i32
        %add3A_328 = arith.addi %add3A_270, %add3A_327 : i32
        %mul3A_329 = arith.constant 32 : i32
        %mul3A_330 = arith.muli %add3A_328, %mul3A_329 : i32
        %add3A_331 = arith.addi %mul3A_330, %add3A : i32
        %mul3A_332 = arith.constant 128 : i32
        %mul3A_333 = arith.muli %add3A_331, %mul3A_332 : i32
        %multiple_of3A_334 = tpu.assume_multiple %mul3A_333, 128 : i32
        %dma_start3A_335 = arith.constant 0 : i32
        %dma_start3A_336 = arith.constant 0 : i32
        %dma_start3A_337 = arith.constant 0 : i32
        %dma_start3A_338 = tpu.memref_slice %arg7[%dma_start3A_336, %dma_start3A_337] : memref<2x128xi32, #tpu.memory_space<vmem>> -> memref<1x128xi32, #tpu.memory_space<vmem>>
        %dma_start3A_339 = tpu.memref_squeeze %dma_start3A_338 : memref<1x128xi32, #tpu.memory_space<vmem>> -> memref<128xi32, #tpu.memory_space<vmem>>
        %dma_start3A_340 = tpu.memref_slice %arg3[%dma_start3A_335, %multiple_of3A_334] : memref<2x320000xi32, #tpu.memory_space<hbm>> -> memref<1x128xi32, #tpu.memory_space<hbm>>
        %dma_start3A_341 = tpu.memref_squeeze %dma_start3A_340 : memref<1x128xi32, #tpu.memory_space<hbm>> -> memref<128xi32, #tpu.memory_space<hbm>>
        %dma_start3A_342 = arith.constant 0 : i32
        %dma_start3A_343 = tpu.memref_slice %arg7[%dma_start3A_336, %dma_start3A_342] : memref<2x128xi32, #tpu.memory_space<vmem>> -> memref<1x128xi32, #tpu.memory_space<vmem>>
        %dma_start3A_344 = tpu.memref_squeeze %dma_start3A_343 : memref<1x128xi32, #tpu.memory_space<vmem>> -> memref<128xi32, #tpu.memory_space<vmem>>
        %dma_start3A_345 = tpu.memref_slice %arg3[%dma_start3A_335, %multiple_of3A_334] : memref<2x320000xi32, #tpu.memory_space<hbm>> -> memref<1x128xi32, #tpu.memory_space<hbm>>
        %dma_start3A_346 = tpu.memref_squeeze %dma_start3A_345 : memref<1x128xi32, #tpu.memory_space<hbm>> -> memref<128xi32, #tpu.memory_space<hbm>>
        tpu.enqueue_dma source(%dma_start3A_346 : memref<128xi32, #tpu.memory_space<hbm>>) target(%dma_start3A_344 : memref<128xi32, #tpu.memory_space<vmem>>) target_semaphore(%arg14 : memref<!tpu.dma_semaphore, #tpu.memory_space<semaphore_mem>>)
        %dma_start3A_347 = arith.constant 1 : i32
        %dma_start3A_348 = arith.constant 1 : i32
        %dma_start3A_349 = arith.constant 0 : i32
        %dma_start3A_350 = tpu.memref_slice %arg7[%dma_start3A_348, %dma_start3A_349] : memref<2x128xi32, #tpu.memory_space<vmem>> -> memref<1x128xi32, #tpu.memory_space<vmem>>
        %dma_start3A_351 = tpu.memref_squeeze %dma_start3A_350 : memref<1x128xi32, #tpu.memory_space<vmem>> -> memref<128xi32, #tpu.memory_space<vmem>>
        %dma_start3A_352 = tpu.memref_slice %arg3[%dma_start3A_347, %multiple_of3A_334] : memref<2x320000xi32, #tpu.memory_space<hbm>> -> memref<1x128xi32, #tpu.memory_space<hbm>>
        %dma_start3A_353 = tpu.memref_squeeze %dma_start3A_352 : memref<1x128xi32, #tpu.memory_space<hbm>> -> memref<128xi32, #tpu.memory_space<hbm>>
        %dma_start3A_354 = arith.constant 0 : i32
        %dma_start3A_355 = tpu.memref_slice %arg7[%dma_start3A_348, %dma_start3A_354] : memref<2x128xi32, #tpu.memory_space<vmem>> -> memref<1x128xi32, #tpu.memory_space<vmem>>
        %dma_start3A_356 = tpu.memref_squeeze %dma_start3A_355 : memref<1x128xi32, #tpu.memory_space<vmem>> -> memref<128xi32, #tpu.memory_space<vmem>>
        %dma_start3A_357 = tpu.memref_slice %arg3[%dma_start3A_347, %multiple_of3A_334] : memref<2x320000xi32, #tpu.memory_space<hbm>> -> memref<1x128xi32, #tpu.memory_space<hbm>>
        %dma_start3A_358 = tpu.memref_squeeze %dma_start3A_357 : memref<1x128xi32, #tpu.memory_space<hbm>> -> memref<128xi32, #tpu.memory_space<hbm>>
        tpu.enqueue_dma source(%dma_start3A_358 : memref<128xi32, #tpu.memory_space<hbm>>) target(%dma_start3A_356 : memref<128xi32, #tpu.memory_space<vmem>>) target_semaphore(%arg14 : memref<!tpu.dma_semaphore, #tpu.memory_space<semaphore_mem>>)
      } else {
      }
      %mul3A_297 = arith.constant 3 : i32
      %mul3A_298 = arith.muli %mul3A_297, %scan3A_236 : i32
      %add3A_299 = arith.constant 2 : i32
      %add3A_300 = arith.addi %mul3A_298, %add3A_299 : i32
      %dma_wait3A_301 = arith.constant 0 : i32
      %dma_wait3A_302 = arith.constant 0 : i32
      %dma_wait3A_303 = tpu.memref_slice %arg8[%dma_wait3A_301, %dma_wait3A_302] : memref<2x128xi32, #tpu.memory_space<vmem>> -> memref<1x128xi32, #tpu.memory_space<vmem>>
      %dma_wait3A_304 = tpu.memref_squeeze %dma_wait3A_303 : memref<1x128xi32, #tpu.memory_space<vmem>> -> memref<128xi32, #tpu.memory_space<vmem>>
      %dma_wait3A_305 = arith.constant 0 : i32
      %dma_wait3A_306 = arith.constant 0 : i32
      %dma_wait3A_307 = tpu.memref_slice %arg2[%dma_wait3A_305, %dma_wait3A_306] : memref<10000x128xf32, #tpu.memory_space<hbm>> -> memref<10000x128xf32, #tpu.memory_space<hbm>>
      tpu.wait_indirect_dma semaphore(%arg18 : memref<!tpu.dma_semaphore, #tpu.memory_space<semaphore_mem>>) src(%dma_wait3A_307 : memref<10000x128xf32, #tpu.memory_space<hbm>>) dst(%arg11 : memref<128x128xf32, #tpu.memory_space<vmem>>)
      %add3A_308 = arith.constant 2 : i32
      %add3A_309 = arith.addi %add3A_300, %add3A_308 : i32
      %lt3A_310 = arith.cmpi slt, %add3A_309, %add3A_4 : i32
      %convert_element_type3A_311 = arith.extui %lt3A_310 : i1 to i32
      %cond3A_312 = arith.constant 0 : i32
      %cond3A_313 = arith.cmpi ne, %convert_element_type3A_311, %cond3A_312 : i32
      scf.if %cond3A_313 {
        %add3A_327 = arith.constant 2 : i32
        %add3A_328 = arith.addi %add3A_300, %add3A_327 : i32
        %mul3A_329 = arith.constant 32 : i32
        %mul3A_330 = arith.muli %add3A_328, %mul3A_329 : i32
        %add3A_331 = arith.addi %mul3A_330, %add3A : i32
        %mul3A_332 = arith.constant 128 : i32
        %mul3A_333 = arith.muli %add3A_331, %mul3A_332 : i32
        %multiple_of3A_334 = tpu.assume_multiple %mul3A_333, 128 : i32
        %dma_wait3A_335 = arith.constant 0 : i32
        %dma_wait3A_336 = arith.constant 0 : i32
        %dma_wait3A_337 = arith.constant 0 : i32
        %dma_wait3A_338 = tpu.memref_slice %arg7[%dma_wait3A_336, %dma_wait3A_337] : memref<2x128xi32, #tpu.memory_space<vmem>> -> memref<1x128xi32, #tpu.memory_space<vmem>>
        %dma_wait3A_339 = tpu.memref_squeeze %dma_wait3A_338 : memref<1x128xi32, #tpu.memory_space<vmem>> -> memref<128xi32, #tpu.memory_space<vmem>>
        %dma_wait3A_340 = tpu.memref_slice %arg3[%dma_wait3A_335, %multiple_of3A_334] : memref<2x320000xi32, #tpu.memory_space<hbm>> -> memref<1x128xi32, #tpu.memory_space<hbm>>
        %dma_wait3A_341 = tpu.memref_squeeze %dma_wait3A_340 : memref<1x128xi32, #tpu.memory_space<hbm>> -> memref<128xi32, #tpu.memory_space<hbm>>
        %dma_wait3A_342 = arith.constant 0 : i32
        %dma_wait3A_343 = tpu.memref_slice %arg7[%dma_wait3A_336, %dma_wait3A_342] : memref<2x128xi32, #tpu.memory_space<vmem>> -> memref<1x128xi32, #tpu.memory_space<vmem>>
        %dma_wait3A_344 = tpu.memref_squeeze %dma_wait3A_343 : memref<1x128xi32, #tpu.memory_space<vmem>> -> memref<128xi32, #tpu.memory_space<vmem>>
        %dma_wait3A_345 = tpu.memref_slice %arg3[%dma_wait3A_335, %multiple_of3A_334] : memref<2x320000xi32, #tpu.memory_space<hbm>> -> memref<1x128xi32, #tpu.memory_space<hbm>>
        %dma_wait3A_346 = tpu.memref_squeeze %dma_wait3A_345 : memref<1x128xi32, #tpu.memory_space<hbm>> -> memref<128xi32, #tpu.memory_space<hbm>>
        tpu.wait_dma2 semaphore(%arg14 : memref<!tpu.dma_semaphore, #tpu.memory_space<semaphore_mem>>) src(%dma_wait3A_346 : memref<128xi32, #tpu.memory_space<hbm>>) dst(%dma_wait3A_344 : memref<128xi32, #tpu.memory_space<vmem>>)
        %dma_wait3A_347 = arith.constant 1 : i32
        %dma_wait3A_348 = arith.constant 1 : i32
        %dma_wait3A_349 = arith.constant 0 : i32
        %dma_wait3A_350 = tpu.memref_slice %arg7[%dma_wait3A_348, %dma_wait3A_349] : memref<2x128xi32, #tpu.memory_space<vmem>> -> memref<1x128xi32, #tpu.memory_space<vmem>>
        %dma_wait3A_351 = tpu.memref_squeeze %dma_wait3A_350 : memref<1x128xi32, #tpu.memory_space<vmem>> -> memref<128xi32, #tpu.memory_space<vmem>>
        %dma_wait3A_352 = tpu.memref_slice %arg3[%dma_wait3A_347, %multiple_of3A_334] : memref<2x320000xi32, #tpu.memory_space<hbm>> -> memref<1x128xi32, #tpu.memory_space<hbm>>
        %dma_wait3A_353 = tpu.memref_squeeze %dma_wait3A_352 : memref<1x128xi32, #tpu.memory_space<hbm>> -> memref<128xi32, #tpu.memory_space<hbm>>
        %dma_wait3A_354 = arith.constant 0 : i32
        %dma_wait3A_355 = tpu.memref_slice %arg7[%dma_wait3A_348, %dma_wait3A_354] : memref<2x128xi32, #tpu.memory_space<vmem>> -> memref<1x128xi32, #tpu.memory_space<vmem>>
        %dma_wait3A_356 = tpu.memref_squeeze %dma_wait3A_355 : memref<1x128xi32, #tpu.memory_space<vmem>> -> memref<128xi32, #tpu.memory_space<vmem>>
        %dma_wait3A_357 = tpu.memref_slice %arg3[%dma_wait3A_347, %multiple_of3A_334] : memref<2x320000xi32, #tpu.memory_space<hbm>> -> memref<1x128xi32, #tpu.memory_space<hbm>>
        %dma_wait3A_358 = tpu.memref_squeeze %dma_wait3A_357 : memref<1x128xi32, #tpu.memory_space<hbm>> -> memref<128xi32, #tpu.memory_space<hbm>>
        tpu.wait_dma2 semaphore(%arg14 : memref<!tpu.dma_semaphore, #tpu.memory_space<semaphore_mem>>) src(%dma_wait3A_358 : memref<128xi32, #tpu.memory_space<hbm>>) dst(%dma_wait3A_356 : memref<128xi32, #tpu.memory_space<vmem>>)
        %ge3A = arith.constant 1 : i32
        %ge3A_359 = arith.cmpi sge, %add3A_300, %ge3A : i32
        %convert_element_type3A_360 = arith.extui %ge3A_359 : i1 to i32
        %cond3A_361 = arith.constant 0 : i32
        %cond3A_362 = arith.cmpi ne, %convert_element_type3A_360, %cond3A_361 : i32
        scf.if %cond3A_362 {
          %dma_wait3A_370 = arith.constant 1 : i32
          %dma_wait3A_371 = arith.constant 0 : i32
          %dma_wait3A_372 = tpu.memref_slice %arg7[%dma_wait3A_370, %dma_wait3A_371] : memref<2x128xi32, #tpu.memory_space<vmem>> -> memref<1x128xi32, #tpu.memory_space<vmem>>
          %dma_wait3A_373 = tpu.memref_squeeze %dma_wait3A_372 : memref<1x128xi32, #tpu.memory_space<vmem>> -> memref<128xi32, #tpu.memory_space<vmem>>
          %dma_wait3A_374 = arith.constant 0 : i32
          %dma_wait3A_375 = arith.constant 0 : i32
          %dma_wait3A_376 = tpu.memref_slice %arg12[%dma_wait3A_374, %dma_wait3A_375] : memref<10000x128xf32, #tpu.memory_space<vmem_shared>> -> memref<10000x128xf32, #tpu.memory_space<vmem_shared>>
          tpu.wait_indirect_dma semaphore(%arg20 : memref<!tpu.dma_semaphore, #tpu.memory_space<semaphore_mem>>) src(%arg10 : memref<128x128xf32, #tpu.memory_space<vmem>>) dst(%dma_wait3A_376 : memref<10000x128xf32, #tpu.memory_space<vmem_shared>>)
        } else {
        }
        %dma_start3A_363 = arith.constant 0 : i32
        %dma_start3A_364 = arith.constant 0 : i32
        %dma_start3A_365 = tpu.memref_slice %arg7[%dma_start3A_363, %dma_start3A_364] : memref<2x128xi32, #tpu.memory_space<vmem>> -> memref<1x128xi32, #tpu.memory_space<vmem>>
        %dma_start3A_366 = tpu.memref_squeeze %dma_start3A_365 : memref<1x128xi32, #tpu.memory_space<vmem>> -> memref<128xi32, #tpu.memory_space<vmem>>
        %dma_start3A_367 = arith.constant 0 : i32
        %dma_start3A_368 = arith.constant 0 : i32
        %dma_start3A_369 = tpu.memref_slice %arg2[%dma_start3A_367, %dma_start3A_368] : memref<10000x128xf32, #tpu.memory_space<hbm>> -> memref<10000x128xf32, #tpu.memory_space<hbm>>
        tpu.enqueue_indirect_dma source(%dma_start3A_369 : memref<10000x128xf32, #tpu.memory_space<hbm>>) target(%arg10 : memref<128x128xf32, #tpu.memory_space<vmem>>) offsets(%dma_start3A_366 : memref<128xi32, #tpu.memory_space<vmem>>) semaphore(%arg17 : memref<!tpu.dma_semaphore, #tpu.memory_space<semaphore_mem>>)
      } else {
      }
      %dma_start3A_314 = arith.constant 1 : i32
      %dma_start3A_315 = arith.constant 0 : i32
      %dma_start3A_316 = tpu.memref_slice %arg8[%dma_start3A_314, %dma_start3A_315] : memref<2x128xi32, #tpu.memory_space<vmem>> -> memref<1x128xi32, #tpu.memory_space<vmem>>
      %dma_start3A_317 = tpu.memref_squeeze %dma_start3A_316 : memref<1x128xi32, #tpu.memory_space<vmem>> -> memref<128xi32, #tpu.memory_space<vmem>>
      %dma_start3A_318 = arith.constant 0 : i32
      %dma_start3A_319 = arith.constant 0 : i32
      %dma_start3A_320 = tpu.memref_slice %arg12[%dma_start3A_318, %dma_start3A_319] : memref<10000x128xf32, #tpu.memory_space<vmem_shared>> -> memref<10000x128xf32, #tpu.memory_space<vmem_shared>>
      tpu.enqueue_indirect_dma source(%arg11 : memref<128x128xf32, #tpu.memory_space<vmem>>) target(%dma_start3A_320 : memref<10000x128xf32, #tpu.memory_space<vmem_shared>>) offsets(%dma_start3A_317 : memref<128xi32, #tpu.memory_space<vmem>>) semaphore(%arg21 : memref<!tpu.dma_semaphore, #tpu.memory_space<semaphore_mem>>) {add = true}
      %add3A_321 = arith.constant 3 : i32
      %add3A_322 = arith.addi %add3A_300, %add3A_321 : i32
      %lt3A_323 = arith.cmpi slt, %add3A_322, %add3A_4 : i32
      %convert_element_type3A_324 = arith.extui %lt3A_323 : i1 to i32
      %cond3A_325 = arith.constant 0 : i32
      %cond3A_326 = arith.cmpi ne, %convert_element_type3A_324, %cond3A_325 : i32
      scf.if %cond3A_326 {
        %add3A_327 = arith.constant 3 : i32
        %add3A_328 = arith.addi %add3A_300, %add3A_327 : i32
        %mul3A_329 = arith.constant 32 : i32
        %mul3A_330 = arith.muli %add3A_328, %mul3A_329 : i32
        %add3A_331 = arith.addi %mul3A_330, %add3A : i32
        %mul3A_332 = arith.constant 128 : i32
        %mul3A_333 = arith.muli %add3A_331, %mul3A_332 : i32
        %multiple_of3A_334 = tpu.assume_multiple %mul3A_333, 128 : i32
        %dma_start3A_335 = arith.constant 0 : i32
        %dma_start3A_336 = arith.constant 0 : i32
        %dma_start3A_337 = arith.constant 0 : i32
        %dma_start3A_338 = tpu.memref_slice %arg8[%dma_start3A_336, %dma_start3A_337] : memref<2x128xi32, #tpu.memory_space<vmem>> -> memref<1x128xi32, #tpu.memory_space<vmem>>
        %dma_start3A_339 = tpu.memref_squeeze %dma_start3A_338 : memref<1x128xi32, #tpu.memory_space<vmem>> -> memref<128xi32, #tpu.memory_space<vmem>>
        %dma_start3A_340 = tpu.memref_slice %arg3[%dma_start3A_335, %multiple_of3A_334] : memref<2x320000xi32, #tpu.memory_space<hbm>> -> memref<1x128xi32, #tpu.memory_space<hbm>>
        %dma_start3A_341 = tpu.memref_squeeze %dma_start3A_340 : memref<1x128xi32, #tpu.memory_space<hbm>> -> memref<128xi32, #tpu.memory_space<hbm>>
        %dma_start3A_342 = arith.constant 0 : i32
        %dma_start3A_343 = tpu.memref_slice %arg8[%dma_start3A_336, %dma_start3A_342] : memref<2x128xi32, #tpu.memory_space<vmem>> -> memref<1x128xi32, #tpu.memory_space<vmem>>
        %dma_start3A_344 = tpu.memref_squeeze %dma_start3A_343 : memref<1x128xi32, #tpu.memory_space<vmem>> -> memref<128xi32, #tpu.memory_space<vmem>>
        %dma_start3A_345 = tpu.memref_slice %arg3[%dma_start3A_335, %multiple_of3A_334] : memref<2x320000xi32, #tpu.memory_space<hbm>> -> memref<1x128xi32, #tpu.memory_space<hbm>>
        %dma_start3A_346 = tpu.memref_squeeze %dma_start3A_345 : memref<1x128xi32, #tpu.memory_space<hbm>> -> memref<128xi32, #tpu.memory_space<hbm>>
        tpu.enqueue_dma source(%dma_start3A_346 : memref<128xi32, #tpu.memory_space<hbm>>) target(%dma_start3A_344 : memref<128xi32, #tpu.memory_space<vmem>>) target_semaphore(%arg15 : memref<!tpu.dma_semaphore, #tpu.memory_space<semaphore_mem>>)
        %dma_start3A_347 = arith.constant 1 : i32
        %dma_start3A_348 = arith.constant 1 : i32
        %dma_start3A_349 = arith.constant 0 : i32
        %dma_start3A_350 = tpu.memref_slice %arg8[%dma_start3A_348, %dma_start3A_349] : memref<2x128xi32, #tpu.memory_space<vmem>> -> memref<1x128xi32, #tpu.memory_space<vmem>>
        %dma_start3A_351 = tpu.memref_squeeze %dma_start3A_350 : memref<1x128xi32, #tpu.memory_space<vmem>> -> memref<128xi32, #tpu.memory_space<vmem>>
        %dma_start3A_352 = tpu.memref_slice %arg3[%dma_start3A_347, %multiple_of3A_334] : memref<2x320000xi32, #tpu.memory_space<hbm>> -> memref<1x128xi32, #tpu.memory_space<hbm>>
        %dma_start3A_353 = tpu.memref_squeeze %dma_start3A_352 : memref<1x128xi32, #tpu.memory_space<hbm>> -> memref<128xi32, #tpu.memory_space<hbm>>
        %dma_start3A_354 = arith.constant 0 : i32
        %dma_start3A_355 = tpu.memref_slice %arg8[%dma_start3A_348, %dma_start3A_354] : memref<2x128xi32, #tpu.memory_space<vmem>> -> memref<1x128xi32, #tpu.memory_space<vmem>>
        %dma_start3A_356 = tpu.memref_squeeze %dma_start3A_355 : memref<1x128xi32, #tpu.memory_space<vmem>> -> memref<128xi32, #tpu.memory_space<vmem>>
        %dma_start3A_357 = tpu.memref_slice %arg3[%dma_start3A_347, %multiple_of3A_334] : memref<2x320000xi32, #tpu.memory_space<hbm>> -> memref<1x128xi32, #tpu.memory_space<hbm>>
        %dma_start3A_358 = tpu.memref_squeeze %dma_start3A_357 : memref<1x128xi32, #tpu.memory_space<hbm>> -> memref<128xi32, #tpu.memory_space<hbm>>
        tpu.enqueue_dma source(%dma_start3A_358 : memref<128xi32, #tpu.memory_space<hbm>>) target(%dma_start3A_356 : memref<128xi32, #tpu.memory_space<vmem>>) target_semaphore(%arg15 : memref<!tpu.dma_semaphore, #tpu.memory_space<semaphore_mem>>)
      } else {
      }
    }
    %scan3A_201 = arith.constant 26 : i32
    %gt3A = arith.constant 78 : i32
    %gt3A_202 = arith.cmpi sgt, %add3A_4, %gt3A : i32
    %convert_element_type3A_203 = arith.extui %gt3A_202 : i1 to i32
    %cond3A_204 = arith.constant 0 : i32
    %cond3A_205 = arith.cmpi ne, %convert_element_type3A_203, %cond3A_204 : i32
    scf.if %cond3A_205 {
      %dma_wait3A_236 = arith.constant 0 : i32
      %dma_wait3A_237 = arith.constant 0 : i32
      %dma_wait3A_238 = tpu.memref_slice %arg6[%dma_wait3A_236, %dma_wait3A_237] : memref<2x128xi32, #tpu.memory_space<vmem>> -> memref<1x128xi32, #tpu.memory_space<vmem>>
      %dma_wait3A_239 = tpu.memref_squeeze %dma_wait3A_238 : memref<1x128xi32, #tpu.memory_space<vmem>> -> memref<128xi32, #tpu.memory_space<vmem>>
      %dma_wait3A_240 = arith.constant 0 : i32
      %dma_wait3A_241 = arith.constant 0 : i32
      %dma_wait3A_242 = tpu.memref_slice %arg2[%dma_wait3A_240, %dma_wait3A_241] : memref<10000x128xf32, #tpu.memory_space<hbm>> -> memref<10000x128xf32, #tpu.memory_space<hbm>>
      tpu.wait_indirect_dma semaphore(%arg16 : memref<!tpu.dma_semaphore, #tpu.memory_space<semaphore_mem>>) src(%dma_wait3A_242 : memref<10000x128xf32, #tpu.memory_space<hbm>>) dst(%arg9 : memref<128x128xf32, #tpu.memory_space<vmem>>)
      %dma_start3A_243 = arith.constant 1 : i32
      %dma_start3A_244 = arith.constant 0 : i32
      %dma_start3A_245 = tpu.memref_slice %arg6[%dma_start3A_243, %dma_start3A_244] : memref<2x128xi32, #tpu.memory_space<vmem>> -> memref<1x128xi32, #tpu.memory_space<vmem>>
      %dma_start3A_246 = tpu.memref_squeeze %dma_start3A_245 : memref<1x128xi32, #tpu.memory_space<vmem>> -> memref<128xi32, #tpu.memory_space<vmem>>
      %dma_start3A_247 = arith.constant 0 : i32
      %dma_start3A_248 = arith.constant 0 : i32
      %dma_start3A_249 = tpu.memref_slice %arg12[%dma_start3A_247, %dma_start3A_248] : memref<10000x128xf32, #tpu.memory_space<vmem_shared>> -> memref<10000x128xf32, #tpu.memory_space<vmem_shared>>
      tpu.enqueue_indirect_dma source(%arg9 : memref<128x128xf32, #tpu.memory_space<vmem>>) target(%dma_start3A_249 : memref<10000x128xf32, #tpu.memory_space<vmem_shared>>) offsets(%dma_start3A_246 : memref<128xi32, #tpu.memory_space<vmem>>) semaphore(%arg19 : memref<!tpu.dma_semaphore, #tpu.memory_space<semaphore_mem>>) {add = true}
    } else {
    }
    %dma_wait3A_206 = arith.constant 1 : i32
    %dma_wait3A_207 = arith.constant 0 : i32
    %dma_wait3A_208 = tpu.memref_slice %arg6[%dma_wait3A_206, %dma_wait3A_207] : memref<2x128xi32, #tpu.memory_space<vmem>> -> memref<1x128xi32, #tpu.memory_space<vmem>>
    %dma_wait3A_209 = tpu.memref_squeeze %dma_wait3A_208 : memref<1x128xi32, #tpu.memory_space<vmem>> -> memref<128xi32, #tpu.memory_space<vmem>>
    %dma_wait3A_210 = arith.constant 0 : i32
    %dma_wait3A_211 = arith.constant 0 : i32
    %dma_wait3A_212 = tpu.memref_slice %arg12[%dma_wait3A_210, %dma_wait3A_211] : memref<10000x128xf32, #tpu.memory_space<vmem_shared>> -> memref<10000x128xf32, #tpu.memory_space<vmem_shared>>
    tpu.wait_indirect_dma semaphore(%arg19 : memref<!tpu.dma_semaphore, #tpu.memory_space<semaphore_mem>>) src(%arg9 : memref<128x128xf32, #tpu.memory_space<vmem>>) dst(%dma_wait3A_212 : memref<10000x128xf32, #tpu.memory_space<vmem_shared>>)
    %dma_wait3A_213 = arith.constant 1 : i32
    %dma_wait3A_214 = arith.constant 0 : i32
    %dma_wait3A_215 = tpu.memref_slice %arg7[%dma_wait3A_213, %dma_wait3A_214] : memref<2x128xi32, #tpu.memory_space<vmem>> -> memref<1x128xi32, #tpu.memory_space<vmem>>
    %dma_wait3A_216 = tpu.memref_squeeze %dma_wait3A_215 : memref<1x128xi32, #tpu.memory_space<vmem>> -> memref<128xi32, #tpu.memory_space<vmem>>
    %dma_wait3A_217 = arith.constant 0 : i32
    %dma_wait3A_218 = arith.constant 0 : i32
    %dma_wait3A_219 = tpu.memref_slice %arg12[%dma_wait3A_217, %dma_wait3A_218] : memref<10000x128xf32, #tpu.memory_space<vmem_shared>> -> memref<10000x128xf32, #tpu.memory_space<vmem_shared>>
    tpu.wait_indirect_dma semaphore(%arg20 : memref<!tpu.dma_semaphore, #tpu.memory_space<semaphore_mem>>) src(%arg10 : memref<128x128xf32, #tpu.memory_space<vmem>>) dst(%dma_wait3A_219 : memref<10000x128xf32, #tpu.memory_space<vmem_shared>>)
    %dma_wait3A_220 = arith.constant 1 : i32
    %dma_wait3A_221 = arith.constant 0 : i32
    %dma_wait3A_222 = tpu.memref_slice %arg8[%dma_wait3A_220, %dma_wait3A_221] : memref<2x128xi32, #tpu.memory_space<vmem>> -> memref<1x128xi32, #tpu.memory_space<vmem>>
    %dma_wait3A_223 = tpu.memref_squeeze %dma_wait3A_222 : memref<1x128xi32, #tpu.memory_space<vmem>> -> memref<128xi32, #tpu.memory_space<vmem>>
    %dma_wait3A_224 = arith.constant 0 : i32
    %dma_wait3A_225 = arith.constant 0 : i32
    %dma_wait3A_226 = tpu.memref_slice %arg12[%dma_wait3A_224, %dma_wait3A_225] : memref<10000x128xf32, #tpu.memory_space<vmem_shared>> -> memref<10000x128xf32, #tpu.memory_space<vmem_shared>>
    tpu.wait_indirect_dma semaphore(%arg21 : memref<!tpu.dma_semaphore, #tpu.memory_space<semaphore_mem>>) src(%arg11 : memref<128x128xf32, #tpu.memory_space<vmem>>) dst(%dma_wait3A_226 : memref<10000x128xf32, #tpu.memory_space<vmem_shared>>)
    %barrier3A_227 = arith.constant 0 : index
    tpu.barrier barrier_id(%barrier3A_227)
    %convert_element_type3A_228 = arith.extui %eq3A_26 : i1 to i32
    %cond3A_229 = arith.constant 0 : i32
    %cond3A_230 = arith.cmpi ne, %convert_element_type3A_228, %cond3A_229 : i32
    scf.if %cond3A_230 {
      "tpu.region"() ({
        %run_scoped3A = tpu.sem_alloc : memref<!tpu.dma_semaphore, #tpu.memory_space<semaphore_mem>>
        %dma_start3A_236 = arith.constant 0 : i32
        %dma_start3A_237 = tpu.memref_slice %arg5[%arg0, %multiple_of3A, %dma_start3A_236] : memref<2x10000x128xf32, #tpu.memory_space<hbm>> -> memref<1x640x128xf32, #tpu.memory_space<hbm>>
        %dma_start3A_238 = tpu.memref_squeeze %dma_start3A_237 : memref<1x640x128xf32, #tpu.memory_space<hbm>> -> memref<640x128xf32, #tpu.memory_space<hbm>>
        %dma_start3A_239 = arith.constant 0 : i32
        %dma_start3A_240 = tpu.memref_slice %arg12[%multiple_of3A, %dma_start3A_239] : memref<10000x128xf32, #tpu.memory_space<vmem_shared>> -> memref<640x128xf32, #tpu.memory_space<vmem_shared>>
        tpu.enqueue_dma source(%dma_start3A_240 : memref<640x128xf32, #tpu.memory_space<vmem_shared>>) target(%dma_start3A_238 : memref<640x128xf32, #tpu.memory_space<hbm>>) target_semaphore(%run_scoped3A : memref<!tpu.dma_semaphore, #tpu.memory_space<semaphore_mem>>)
        %dma_wait3A_241 = arith.constant 0 : i32
        %dma_wait3A_242 = tpu.memref_slice %arg5[%arg0, %multiple_of3A, %dma_wait3A_241] : memref<2x10000x128xf32, #tpu.memory_space<hbm>> -> memref<1x640x128xf32, #tpu.memory_space<hbm>>
        %dma_wait3A_243 = tpu.memref_squeeze %dma_wait3A_242 : memref<1x640x128xf32, #tpu.memory_space<hbm>> -> memref<640x128xf32, #tpu.memory_space<hbm>>
        %dma_wait3A_244 = arith.constant 0 : i32
        %dma_wait3A_245 = tpu.memref_slice %arg12[%multiple_of3A, %dma_wait3A_244] : memref<10000x128xf32, #tpu.memory_space<vmem_shared>> -> memref<640x128xf32, #tpu.memory_space<vmem_shared>>
        tpu.wait_dma2 semaphore(%run_scoped3A : memref<!tpu.dma_semaphore, #tpu.memory_space<semaphore_mem>>) src(%dma_wait3A_245 : memref<640x128xf32, #tpu.memory_space<vmem_shared>>) dst(%dma_wait3A_243 : memref<640x128xf32, #tpu.memory_space<hbm>>)
        tpu.yield
      }) : () -> ()
    } else {
    }
    %not3A_231 = arith.constant true
    %not3A_232 = arith.xori %eq3A_26, %not3A_231 : i1
    %convert_element_type3A_233 = arith.extui %not3A_232 : i1 to i32
    %cond3A_234 = arith.constant 0 : i32
    %cond3A_235 = arith.cmpi ne, %convert_element_type3A_233, %cond3A_234 : i32
    scf.if %cond3A_235 {
      "tpu.region"() ({
        %run_scoped3A = tpu.sem_alloc : memref<!tpu.dma_semaphore, #tpu.memory_space<semaphore_mem>>
        %dma_start3A_236 = arith.constant 0 : i32
        %dma_start3A_237 = tpu.memref_slice %arg5[%arg0, %multiple_of3A, %dma_start3A_236] : memref<2x10000x128xf32, #tpu.memory_space<hbm>> -> memref<1x624x128xf32, #tpu.memory_space<hbm>>
        %dma_start3A_238 = tpu.memref_squeeze %dma_start3A_237 : memref<1x624x128xf32, #tpu.memory_space<hbm>> -> memref<624x128xf32, #tpu.memory_space<hbm>>
        %dma_start3A_239 = arith.constant 0 : i32
        %dma_start3A_240 = tpu.memref_slice %arg12[%multiple_of3A, %dma_start3A_239] : memref<10000x128xf32, #tpu.memory_space<vmem_shared>> -> memref<624x128xf32, #tpu.memory_space<vmem_shared>>
        tpu.enqueue_dma source(%dma_start3A_240 : memref<624x128xf32, #tpu.memory_space<vmem_shared>>) target(%dma_start3A_238 : memref<624x128xf32, #tpu.memory_space<hbm>>) target_semaphore(%run_scoped3A : memref<!tpu.dma_semaphore, #tpu.memory_space<semaphore_mem>>)
        %dma_wait3A_241 = arith.constant 0 : i32
        %dma_wait3A_242 = tpu.memref_slice %arg5[%arg0, %multiple_of3A, %dma_wait3A_241] : memref<2x10000x128xf32, #tpu.memory_space<hbm>> -> memref<1x624x128xf32, #tpu.memory_space<hbm>>
        %dma_wait3A_243 = tpu.memref_squeeze %dma_wait3A_242 : memref<1x624x128xf32, #tpu.memory_space<hbm>> -> memref<624x128xf32, #tpu.memory_space<hbm>>
        %dma_wait3A_244 = arith.constant 0 : i32
        %dma_wait3A_245 = tpu.memref_slice %arg12[%multiple_of3A, %dma_wait3A_244] : memref<10000x128xf32, #tpu.memory_space<vmem_shared>> -> memref<624x128xf32, #tpu.memory_space<vmem_shared>>
        tpu.wait_dma2 semaphore(%run_scoped3A : memref<!tpu.dma_semaphore, #tpu.memory_space<semaphore_mem>>) src(%dma_wait3A_245 : memref<624x128xf32, #tpu.memory_space<vmem_shared>>) dst(%dma_wait3A_243 : memref<624x128xf32, #tpu.memory_space<hbm>>)
        tpu.yield
      }) : () -> ()
    } else {
    }
    return
  }
}

module attributes {stable_mosaic.version = 14 : i64} {
  func.func @body(%arg0: i32, %arg1: memref<2x5000x128xf32, #tpu.memory_space<vmem>>, %arg2: memref<5000x128xf32, #tpu.memory_space<vmem>>, %arg3: memref<128x128xf32, #tpu.memory_space<vmem>>, %arg4: memref<5000x128xf32, #tpu.memory_space<vmem>>) attributes {dimension_semantics = [#tpu.dimension_semantics<arbitrary>], iteration_bounds = array<i64: 2>, scalar_prefetch = 0 : i64, scratch_operands = 0 : i64, tpu.core_type = #tpu.core_type<tc>, window_params = [{transform_indices = @transform_0, window_bounds = array<i64: 2, 5000, 128>}, {transform_indices = @transform_1, window_bounds = array<i64: 5000, 128>}, {pipeline_mode = #tpu.pipeline_mode<synchronous>, transform_indices = @transform_2, window_bounds = array<i64: 128, 128>}, {transform_indices = @transform_3, window_bounds = array<i64: 5000, 128>}]} {
    %get3A = arith.constant 0 : index
    %get3A_0 = arith.constant 0 : index
    %get3A_1 = arith.constant 0 : index
    %get3A_2 = vector.load %arg1[%get3A, %get3A_0, %get3A_1] : memref<2x5000x128xf32, #tpu.memory_space<vmem>>, vector<1x5000x128xf32>
    %get3A_3 = vector.shape_cast %get3A_2 : vector<1x5000x128xf32> to vector<5000x128xf32>
    %get3A_4 = arith.constant 1 : index
    %get3A_5 = arith.constant 0 : index
    %get3A_6 = arith.constant 0 : index
    %get3A_7 = vector.load %arg1[%get3A_4, %get3A_5, %get3A_6] : memref<2x5000x128xf32, #tpu.memory_space<vmem>>, vector<1x5000x128xf32>
    %get3A_8 = vector.shape_cast %get3A_7 : vector<1x5000x128xf32> to vector<5000x128xf32>
    %add3A = arith.addf %get3A_3, %get3A_8 : vector<5000x128xf32>
    %mul3A = arith.constant 0.899999976 : f32
    %mul3A_9 = vector.broadcast %mul3A : f32 to vector<5000x128xf32>
    %mul3A_10 = arith.mulf %mul3A_9, %add3A : vector<5000x128xf32>
    %get3A_11 = arith.constant 0 : index
    %get3A_12 = arith.constant 0 : index
    %get3A_13 = vector.load %arg2[%get3A_11, %get3A_12] : memref<5000x128xf32, #tpu.memory_space<vmem>>, vector<5000x128xf32>
    %mul3A_14 = arith.constant 1.000000e-01 : f32
    %mul3A_15 = vector.broadcast %mul3A_14 : f32 to vector<5000x128xf32>
    %mul3A_16 = arith.mulf %mul3A_15, %get3A_13 : vector<5000x128xf32>
    %add3A_17 = arith.addf %mul3A_10, %mul3A_16 : vector<5000x128xf32>
    %mul3A_18 = arith.constant 0.904689848 : f32
    %mul3A_19 = vector.broadcast %mul3A_18 : f32 to vector<5000x128xf32>
    %mul3A_20 = arith.mulf %mul3A_19, %add3A_17 : vector<5000x128xf32>
    %get3A_21 = arith.constant 0 : index
    %get3A_22 = arith.constant 0 : index
    %get3A_23 = vector.load %arg3[%get3A_21, %get3A_22] : memref<128x128xf32, #tpu.memory_space<vmem>>, vector<128x128xf32>
    %dot_general3A = arith.constant dense<0.000000e+00> : vector<5000x128xf32>
    %dot_general3A_24 = tpu.matmul %add3A_17, %get3A_23, %dot_general3A {dimension_numbers = #tpu.dot_dimension_numbers<[1], [0], [0], [1], [0, 0, 1, 1], [], []>, transpose_lhs_hint = false} : vector<5000x128xf32>, vector<128x128xf32>, vector<5000x128xf32> -> vector<5000x128xf32>
    %mul3A_25 = arith.constant 0.0953101813 : f32
    %mul3A_26 = vector.broadcast %mul3A_25 : f32 to vector<5000x128xf32>
    %mul3A_27 = arith.mulf %mul3A_26, %dot_general3A_24 : vector<5000x128xf32>
    %add3A_28 = arith.addf %mul3A_20, %mul3A_27 : vector<5000x128xf32>
    %swap3A = arith.constant 0 : index
    %swap3A_29 = arith.constant 0 : index
    %swap3A_30 = vector.load %arg4[%swap3A, %swap3A_29] : memref<5000x128xf32, #tpu.memory_space<vmem>>, vector<5000x128xf32>
    tpu.vector_store %arg4[%swap3A, %swap3A_29], %add3A_28 {strides = array<i32>} : memref<5000x128xf32, #tpu.memory_space<vmem>>, vector<5000x128xf32>,
    return
  }
  func.func @transform_0(%arg0: i32) -> (i32, i32, i32) {
    %c0_i32 = arith.constant 0 : i32
    %c0_i32_0 = arith.constant 0 : i32
    %c0_i32_1 = arith.constant 0 : i32
    return %c0_i32, %arg0, %c0_i32_0 : i32, i32, i32
  }
  func.func @transform_1(%arg0: i32) -> (i32, i32) {
    %c0_i32 = arith.constant 0 : i32
    %c0_i32_0 = arith.constant 0 : i32
    return %arg0, %c0_i32 : i32, i32
  }
  func.func @transform_2(%arg0: i32) -> (i32, i32) {
    %c0_i32 = arith.constant 0 : i32
    %c0_i32_0 = arith.constant 0 : i32
    %c0_i32_1 = arith.constant 0 : i32
    return %c0_i32, %c0_i32_0 : i32, i32
  }
  func.func @transform_3(%arg0: i32) -> (i32, i32) {
    %c0_i32 = arith.constant 0 : i32
    %c0_i32_0 = arith.constant 0 : i32
    return %arg0, %c0_i32 : i32, i32
  }
}

</mosaic_0001>

<sc_bundles>
// kernel: _impl.4.cloned.1.call-start
scs
__scs_entry_jumppad:
0x0: {  	(pc) =	sbr.rel $0x88, $3  }
0x1: {  	(tag) =	ssettag $0x0;
	lr =	simm.s32 $0x1  }
0x2: {  	[smem:$0x3F9D] =	sst lr;
	_ =	strace $0xD0000000  }
0x3: {  	_ = 	snop  }
0x4: {  	_ = 	snop  }
0x5: {  	_ = 	snop  }
0x6: {  	_ = 	snop  }
0x7: {  	_ = 	snop  }
__scs_overlays_trampoline_lowered:
0x8: {  	[smem:$0x3FAC] =	sst s0  }
0x9: {  	[smem:$0x3FAD] =	sst s1  }
0xa: {  	[smem:$0x3FAE] =	sst s2  }
0xb: {  	[smem:$0x3FAF] =	sst s3  }
0xc: {  	[smem:$0x3FB0] =	sst s4  }
0xd: {  	[smem:$0x3FB1] =	sst s5  }
0xe: {  	[smem:$0x3FB2] =	sst s6  }
0xf: {  	[smem:$0x3FB3] =	sst s7  }
0x10: {  	[smem:$0x3FB4] =	sst s8  }
0x11: {  	[smem:$0x3FB5] =	sst s9;
	s0 =	simm.s32 @!p0 $0x0  }
0x12: {  	s1 =	sld [smem:$0x3F9B];
	s0 =	simm.s32 @p0 $0x1  }
0x13: {  	[smem:$0x3FB6] =	sst s0;
	s0 =	simm.s32 @!p1 $0x0  }
0x14: {  	s2 =	sld [smem:$0x3F9A];
	s0 =	simm.s32 @p1 $0x1  }
0x15: {  	[smem:$0x3FB7] =	sst s0;
	s0 =	simm.s32 @!p2 $0x0  }
0x16: {  	s3 =	sld [smem:$0x3FDB];
	s0 =	simm.s32 @p2 $0x1  }
0x17: {  	s4 =	simm.s32 $0x1BF5;
	[smem:$0x3FB9] =	sst s0  }
0x18: {  	s0 =	sld [smem:$0x3F9C];
	_ =	swait.ge [sflag:s4], $0x0  }
0x19: {  	s7 =	sld [smem:$0x3F9D]  }
0x1a: {  	s8 =	sadd.s32 $0xFFFFE003, lr  }
0x1b: {  	s9 =	sadd.s32 $0xFFFFFEF7, lr;
	s5 =	simm.s32 $0xFFFFFFFF;
	p2 =	slt.u32 s8, $0xFFFFF086  }
0x1c: {  	p1 =	slt.u32 s9, $0xF7A;
	s5 =	simm.s32 @!p2 $0x0  }
0x1d: {  	s5 =	simm.s32 @p1 $0x1;
	p0 =	seq.s32 s7, s2  }
0x1e: {  	s7 =	smul.u32 @!p0 $0xF7A, s2;
	p2 =	seq.s32 @!p0 s5, $0x0  }
0x1f: {  	s9 =	smul.u32 $0xF7A, s1;
	s8 =	simm.s32 @!p0 $0x1BF5;
	p2 =	por !p2, p0  }
0x20: {  	[sflag:s8] =	ssyncset.s32 @!p0 $0xFFFFF086;
	s6 =	sadd.s32 @!p0 s3, s7;
	s7 =	simm.s32 @!p0 $0x108  }
0x21: {  	s3 =	sadd.s32 s3, s9;
	s6 =	sadd.s32 @!p0 $0x88, s6;
	s7 =	simm.s32 @p2 $0x1082  }
0x22: {  	[simem:s7], [sflag:s8] =	dma.local @!p0 [hbm:s6], $0xF7A  }
0x23: {  	s9 =	sor.u32 $0xD0000000, s2;
	s6 =	simm.s32 $0x108;
	_ =	swait.ge @!p0 [sflag:s8], $0x0  }
0x24: {  	s3 =	sadd.s32 $0x88, s3;
	s6 =	simm.s32 @!p1 $0x1082;
	[sflag:s4] =	ssyncset.s32 $0xFFFFF086  }
0x25: {  	[simem:s6], [sflag:s4] =	dma.local [hbm:s3], $0xF7A  }
0x26: {  	[smem:$0x3F9D] =	sst s1;
	(tag) =	ssettag s2;
	_ =	strace s9  }
0x27: {  	s1 =	sld [smem:$0x3FAD]  }
0x28: {  	s2 =	sld [smem:$0x3FAE]  }
0x29: {  	s4 =	sld [smem:$0x3FB0]  }
0x2a: {  	p0 =	seq.s32 s5, $0x0;
	s5 =	sld [smem:$0x3FB1]  }
0x2b: {  	s6 =	sld [smem:$0x3FB2]  }
0x2c: {  	s7 =	sld [smem:$0x3FB3]  }
0x2d: {  	s3 =	simm.s32 $0x108;
	s8 =	sld [smem:$0x3FB4]  }
0x2e: {  	s3 =	simm.s32 @!p0 $0x1082;
	s9 =	sld [smem:$0x3FB5]  }
0x2f: {  	lr =	sadd.s32 s0, s3;
	s0 =	sld [smem:$0x3FAC]  }
0x30: {  	s3 =	sld [smem:$0x3FAF]  }
0x31: {  	[smem:$0x3FB8] =	sst s10  }
0x32: {  	s10 =	sld [smem:$0x3FB6];
	_ =	sdelay $0x3  }
0x33: {  	p0 =	seq.s32 s10, $0x1;
	s10 =	sld [smem:$0x3FB8];
	_ =	sdelay $0x3  }
0x34: {  	[smem:$0x3FB8] =	sst s10  }
0x35: {  	s10 =	sld [smem:$0x3FB7];
	_ =	sdelay $0x3  }
0x36: {  	p1 =	seq.s32 s10, $0x1;
	s10 =	sld [smem:$0x3FB8];
	_ =	sdelay $0x3  }
0x37: {  	[smem:$0x3FB8] =	sst s10  }
0x38: {  	s10 =	sld [smem:$0x3FB9]  }
0x39: {  	_ = 	snop;
	(pc) =	sbr.ind lr, $3  }
0x3a: {  	_ = 	snop  }
0x3b: {  	_ = 	snop  }
0x3c: {  	p2 =	seq.s32 s10, $0x1;
	s10 =	sld [smem:$0x3FB8]  }
0x3d: {  	_ =	shalt  }
0x3e: {  	_ =	shalt  }
0x3f: {  	_ =	shalt  }
0x40: {  	_ =	shalt  }
0x41: {  	_ =	shalt  }
0x42: {  	_ =	shalt  }
0x43: {  	_ =	shalt  }
0x44: {  	_ =	shalt  }
0x45: {  	_ =	shalt  }
0x46: {  	_ =	shalt  }
0x47: {  	_ =	shalt  }
0x48: {  	_ =	shalt  }
0x49: {  	_ =	shalt  }
0x4a: {  	_ =	shalt  }
0x4b: {  	_ =	shalt  }
0x4c: {  	_ =	shalt  }
0x4d: {  	_ =	shalt  }
0x4e: {  	_ =	shalt  }
0x4f: {  	_ =	shalt  }
0x50: {  	_ =	shalt  }
0x51: {  	_ =	shalt  }
0x52: {  	_ =	shalt  }
0x53: {  	_ =	shalt  }
0x54: {  	_ =	shalt  }
0x55: {  	_ =	shalt  }
0x56: {  	_ =	shalt  }
0x57: {  	_ =	shalt  }
0x58: {  	_ =	shalt  }
0x59: {  	_ =	shalt  }
0x5a: {  	_ =	shalt  }
0x5b: {  	_ =	shalt  }
0x5c: {  	_ =	shalt  }
0x5d: {  	_ =	shalt  }
0x5e: {  	_ =	shalt  }
0x5f: {  	_ =	shalt  }
0x60: {  	_ =	shalt  }
0x61: {  	_ =	shalt  }
0x62: {  	_ =	shalt  }
0x63: {  	_ =	shalt  }
0x64: {  	_ =	shalt  }
0x65: {  	_ =	shalt  }
0x66: {  	_ =	shalt  }
0x67: {  	_ =	shalt  }
0x68: {  	_ =	shalt  }
0x69: {  	_ =	shalt  }
0x6a: {  	_ =	shalt  }
0x6b: {  	_ =	shalt  }
0x6c: {  	_ =	shalt  }
0x6d: {  	_ =	shalt  }
0x6e: {  	_ =	shalt  }
0x6f: {  	_ =	shalt  }
0x70: {  	_ =	shalt  }
0x71: {  	_ =	shalt  }
0x72: {  	_ =	shalt  }
0x73: {  	_ =	shalt  }
0x74: {  	_ =	shalt  }
0x75: {  	_ =	shalt  }
0x76: {  	_ =	shalt  }
0x77: {  	_ =	shalt  }
0x78: {  	_ =	shalt  }
0x79: {  	_ =	shalt  }
0x7a: {  	_ =	shalt  }
0x7b: {  	_ =	shalt  }
0x7c: {  	_ =	shalt  }
0x7d: {  	_ =	shalt  }
0x7e: {  	_ =	shalt  }
0x7f: {  	_ =	shalt  }
0x80: {  	_ =	shalt  }
0x81: {  	_ =	shalt  }
0x82: {  	_ =	shalt  }
0x83: {  	_ =	shalt  }
0x84: {  	_ =	shalt  }
0x85: {  	_ =	shalt  }
0x86: {  	_ =	shalt  }
0x87: {  	_ =	shalt  }
.Lfunc_end0:
.L_simem_size_0:
called_computation_lowered:
.L_overlay_start_0:
0x88: {  	s2 =	sld [smem:$0x3FD9]  }
0x89: {  	s3 =	sld [smem:$0x3FFE];
	_ =	sdelay $0x1  }
0x8a: {  	s1 =	srdreg.scid  }
0x8b: {  	s0 =	sand.u32 $0x1, s1  }
0x8c: {  	s17 =	sshll.u32 s0, $0xA;
	s2 =	sadd.s32 s3, s2  }
0x8d: {  	s2 =	sadd.s32 s2, s17  }
0x8e: {  	[smem:$0x3FC4] =	sst s2  }
0x8f: {  	_ = 	snop  }
0x90: {  	s2 =	sld [smem:$0x3FC9]  }
0x91: {  	s18 =	sld [smem:$0x3FC7]  }
0x92: {  	s4 =	sld [smem:$0x3FD0];
	(tm) =	ssettm $0x1  }
0x93: {  	s5 =	sld [smem:$0x3FFB];
	_ =	sdelay $0x3  }
0x94: {  	_ =	strace s5  }
0x95: {  	s5 =	sld [smem:$0x3FFC];
	_ =	sdelay $0x3  }
0x96: {  	_ =	strace s5  }
0x97: {  	s5 =	sld [smem:$0x3FFD];
	_ =	sdelay $0x3  }
0x98: {  	_ =	strace s5  }
0x99: {  	_ =	strace $0x8FFFFFFF  }
0x9a: {  	s19 =	sld [smem:$0x3FDB];
	_ =	sdelay $0x1  }
0x9b: {  	s6 =	simm.s32 $_scs_section_size  }
0x9c: {  	s7 =	simm.s32 $_size__tile_overlayer_lowered;
	s8 =	simm.s32 $_tile_overlayer_lowered  }
0x9d: {  	s22 =	simm.s32 $0x1BFF;
	s21 =	sshll.u32 s8, $0x1;
	s5 =	sadd.s32 s6, s19  }
0x9e: {  	s9 =	simm.s32 $0x0;
	s20 =	sshll.u32 s7, $0x1;
	s7 =	sadd.s32 s21, s5  }
0x9f: {  	[timem:s9], [sflag:s22] =	dma.local [hbm:s7], s20  }
0xa0: {  	_ =	swait.ge [sflag:s22], s20  }
0xa1: {  	s6 =	ssub.s32 $0x0, s20;
	[sflag:s22] =	ssyncset.done $0x0  }
0xa2: {  	[sflag:s22] =	ssyncadd.s32 s6;
	_ =	sdelay $0x1  }
0xa3: {  	s23 =	simm.s32 $0x1B8B  }
0xa4: {  	_ =	swait.ge [sflag:s23], $0x1  }
0xa5: {  	[sflag:s23] =	ssyncset.done $0x0  }
0xa6: {  	s25 =	simm.s32 $0x1B8E;
	s24 =	sld [smem:$0x3FFE];
	[sflag:s23] =	ssyncadd.s32 $0xFFFFFFFF  }
0xa7: {  	s26 =	simm.s32 $execute0_lowered;
	[smem:$0x3FD2] =	sst s25  }
0xa8: {  	s7 =	sshll.u32 s26, $0x1;
	_ =	strace $0x80000046;
	[dreg:$0x1] =	wrdreg $0xFFFFFFFF  }
0xa9: {  	s28 =	simm.s32 $_size_execute0_lowered;
	s5 =	sadd.s32 s5, s7;
	[dreg:$0x0] =	wrdreg $0x0  }
0xaa: {  	s7 =	sshll.u32 s28, $0x1;
	[dreg:$0x2] =	wrdreg s5  }
0xab: {  	[dreg:$0x3] =	wrdreg s7  }
0xac: {  	[dreg:$0x4] =	wrdreg $0xC0  }
0xad: {  	_ =	task [dreg:s9], $0x5FFFF  }
0xae: {  	[dreg:$0x1] =	wrdreg $0xFFFFFFFF  }
0xaf: {  	[dreg:$0x0] =	wrdreg $0x60  }
0xb0: {  	[dreg:$0x2] =	wrdreg s2  }
0xb1: {  	[dreg:$0x3] =	wrdreg s18  }
0xb2: {  	[dreg:$0x4] =	wrdreg s4  }
0xb3: {  	[dreg:$0x5] =	wrdreg s24  }
0xb4: {  	[dreg:$0x6] =	wrdreg $0xC3000  }
0xb5: {  	[dreg:$0x7] =	wrdreg $0x9  }
0xb6: {  	_ =	task.clear_ibuf [dreg:s9], $0x8FFFF;
	_ =	strace $0x90000046  }
0xb7: {  	s29 =	simm.s32 $0x9;
	_ =	strace $0x80000048  }
0xb8: {  	_ =	swait.ge [sflag:s29], $0x1  }
0xb9: {  	[sflag:s29] =	ssyncadd.s32 $0xFFFFFFFF  }
0xba: {  	_ =	strace $0x90000048  }
0xbb: {  	_ =	sfence  }
0xbc: {  	s30 =	sld [smem:$0x0];
	_ =	sdelay $0x2  }
0xbd: {  	s31 =	sshll.u32 s1, $0xD;
	s1 =	sshrl.u32 s1, $0x2  }
0xbe: {  	s3 =	sand.u32 $0x4000, s31;
	s1 =	sadd.s32 s1, s30  }
0xbf: {  	s0 =	sor.u32 s3, s0;
	s1 =	sshll.u32 s1, $0x11  }
0xc0: {  	s0 =	sor.u32 s1, s0  }
0xc1: {  	s0 =	sadd.s32 $0x8F2B, s0  }
0xc2: {  	[sflag:s0] =	ssyncadd.remote.s32 $0x1  }
0xc3: {  	_ =	sfence.sel $0xFFFF  }
0xc4: {  	[dreg:$0x0] =	wrdreg $0xFFFFFFFF;
	(pc) =	sbr.abs _section_cstart, $3  }
0xc5: {  	[dreg:$0x1] =	wrdreg $0xFFFFFFFF  }
0xc6: {  	_ =	task.clear_ibuf [dreg:s9], $0x2FFFF;
	_ =	strace $0x9FFFFFFF  }
0xc7: {  	(tm) =	ssettm $0x7FFFFFFF  }
tec
execute0_lowered:
.L_overlay_start_1:
0x0: {  	(tag) =	ssettag $0x1  }
0x1: {  	s1 =	rddreg [dreg:$0x0]  }
0x2: {  	s2 =	rddreg [dreg:$0x1]  }
0x3: {  	s0 =	rddreg [dreg:$0x2]  }
0x4: {  	s5 =	rddreg [dreg:$0x3]  }
0x5: {  	s3 =	rddreg [dreg:$0x4];
	s4 =	simm.s32 $0x0  }
0x6: {  	s7 =	srdreg.scid;
	s14 =	stileid.u32;
	s6 =	simm.s32 $0x4F  }
0x7: {  	s28 =	simm.s32 $0x300;
	s29 =	simm.s32 $0x2;
	s30 =	simm.s32 $0x4300  }
0x8: {  	s31 =	simm.s32 $0x4;
	[smem:$0x7FF] =	sst s4;
	s8 =	sand.u32 $0x1, s7  }
0x9: {  	s5 =	sadd.s32 $0x1000, s5;
	p0 =	slt.u32 s14, $0x2;
	s22 =	smul.u32 $0x4E000, s14  }
0xa: {  	s7 =	sshll.u32 s7, $0x3;
	s21 =	sshll.u32 s14, $0x6;
	s26 =	smul.u32 $0x13800, s14  }
0xb: {  	s18 =	sshll.u32 s14, $0x9;
	s20 =	sadd.s32 $0x124800, s3;
	p1 =	sgt.u32 s14, $0x1  }
0xc: {  	_ =	strace $0x80000047;
	s9 =	ssub.s32 $0x2, s8;
	s6 =	simm.s32 @!p0 $0x4E  }
0xd: {  	s7 =	sadd.s32 s14, s7;
	s11 =	sshll.u32 s8, $0x5;
	s25 =	smul.u32 $0x138800, s8  }
0xe: {  	s8 =	sshll.u32 s8, $0x8;
	[dreg:$0x10] =	wrdreg s20;
	p0 =	sne.s32 s14, $0xF  }
0xf: {  	s10 =	sshrl.u32 s9, $0x1;
	s12 =	sand.u32 $0xF, s7;
	s7 =	sadd.s32 $0x10, s2  }
0x10: {  	s8 =	sor.u32 s8, s18;
	s9 =	ssub.s32 s9, s10;
	s10 =	sor.u32 s11, s21  }
0x11: {  	s16 =	smul.u32 $0x2700, s12;
	s15 =	sadd.s32 s2, s10;
	s10 =	sadd.s32 s10, s7  }
0x12: {  	s17 =	sadd.s32 s26, s25;
	s21 =	sor.u32 $0xA000, s8;
	[dreg:$0x9] =	wrdreg s10  }
0x13: {  	s20 =	sor.u32 $0x6000, s8;
	s26 =	smax.u32 s9, $0x1;
	[dreg:$0x8] =	wrdreg s15  }
0x14: {  	s12 =	simm.s32 $0x0;
	s23 =	sadd.s32 $0x400, s15;
	[dreg:$0x13] =	wrdreg s26  }
0x15: {  	s19 =	sshrl.u32 s17, $0x3;
	s24 =	sadd.s32 $0x410, s15;
	[dreg:$0xa] =	wrdreg s23  }
0x16: {  	s13 =	sadd.s32 $0x800, s15;
	s10 =	sshrl.u32 s22, $0x2;
	[dreg:$0xb] =	wrdreg s24  }
0x17: {  	s15 =	sadd.s32 $0x810, s15;
	s0 =	sadd.s32 s0, s16;
	[dreg:$0xc] =	wrdreg s13  }
0x18: {  	s22 =	sshrl.u32 s25, $0x3;
	s26 =	simm.s32 $0x1;
	[dreg:$0xd] =	wrdreg s15  }
0x19: {  	s10 =	sadd.s32 s10, s3;
	[dreg:$0xf] =	wrdreg s0;
	s0 =	sadd.s32 s5, s19  }
0x1a: {  	s23 =	sor.u32 $0x8000, s8;
	s5 =	sadd.s32 s5, s22;
	[dreg:$0xe] =	wrdreg s10  }
0x1b: {  	[dreg:$0x11] =	wrdreg s0;
	s0 =	sshrl.u32 s21, $0x3;
	s24 =	sshrl.u32 s23, $0x3  }
0x1c: {  	s5 =	sadd.s32 $0x24900, s5;
	s21 =	simm.s32 $0x80;
	s23 =	simm.s32 $0x180  }
0x1d: {  	s0 =	sadd.s32 s0, s2;
	[dreg:$0x12] =	wrdreg s5;
	s25 =	sadd.s32 s24, s2  }
0x1e: {  	s24 =	simm.s32 $0x200;
	s5 =	simm.s32 $0x8300;
	[dreg:$0x7] =	wrdreg s0  }
0x1f: {  	[dreg:$0x6] =	wrdreg s25;
	s25 =	simm.s32 $0x280;
	s0 =	simm.s32 $0x3  }
.LBB2_1:
0x20: {  	s8 =	rddreg [dreg:$0x8]  }
0x21: {  	s16 =	rddreg [dreg:$0x9]  }
0x22: {  	s17 =	rddreg [dreg:$0xa]  }
0x23: {  	[tilespmem:s4], [sflag:$0x1] =	stream.linear.gather [hbm4b:s8+s4], $0x80, $0x38;
	[tilespmem:$0x1FB80] =	vst v63  }
0x24: {  	s18 =	rddreg [dreg:$0xb]  }
0x25: {  	[tilespmem:s21], [sflag:$0x1] =	stream.linear.gather [hbm4b:s16+s4], $0x80, $0x38;
	[tilespmem:$0x1FB80] =	vst v63  }
0x26: {  	s10 =	simm.s32 $0x100;
	s19 =	rddreg [dreg:$0xc]  }
0x27: {  	[tilespmem:s10], [sflag:$0x2] =	stream.linear.gather [hbm4b:s17+s4], $0x80, $0x38;
	[tilespmem:$0x1FB80] =	vst v63  }
0x28: {  	s22 =	rddreg [dreg:$0xd];
	s8 =	stileid.u32  }
0x29: {  	[tilespmem:s23], [sflag:$0x2] =	stream.linear.gather [hbm4b:s18+s4], $0x80, $0x38;
	[tilespmem:$0x1FB80] =	vst v63  }
0x2a: {  	s9 =	rddreg [dreg:$0xe];
	s14 =	sshll.u32 @p0 s8, $0x6  }
0x2b: {  	[tilespmem:s24], [sflag:$0x3] =	stream.linear.gather [hbm4b:s19+s4], $0x80, $0x38;
	[tilespmem:$0x1FB80] =	vst v63  }
0x2c: {  	s8 =	sor.u32 @p0 $0x1C0A, s14;
	s16 =	sshrl.u32 @p0 s9, $0x3;
	s9 =	rddreg [dreg:$0xf]  }
0x2d: {  	[tilespmem:s25], [sflag:$0x3] =	stream.linear.gather [hbm4b:s22+s4], $0x80, $0x38;
	[tilespmem:$0x1FB80] =	vst v63  }
0x2e: {  	[spmem:s16], [sflag:s8] =	dma.local @p0 [hbm:s9], $0x2700  }
0x2f: {  	s8 =	rddreg [dreg:$0x10]  }
0x30: {  	s13 =	sshrl.u32 @!p0 s8, $0x3;
	s8 =	simm.s32 @!p0 $0x1FCA  }
0x31: {  	[spmem:s13], [sflag:s8] =	dma.local @!p0 [hbm:s9], $0x2800  }
0x32: {  	_ =	swait.ge [sflag:s26], $0x80  }
0x33: {  	[sflag:s26] =	ssyncset.done $0x0  }
0x34: {  	[sflag:s26] =	ssyncadd.s32 $0xFFFFFF80  }
0x35: {  	_ =	swait.ge [sflag:s26], $0x80  }
0x36: {  	[sflag:s26] =	ssyncset.done $0x0  }
0x37: {  	[sflag:s26] =	ssyncadd.s32 $0xFFFFFF80  }
0x38: {  	[tilespmem:s28], [sflag:$0x4] =	stream.indirect.gather [hbm4b:s1+s21], $0x80, s4, s21, $0xb8;
	[tilespmem:$0x1FB80] =	vst v63  }
0x39: {  	_ =	swait.ge [sflag:s29], $0x80  }
0x3a: {  	[sflag:s29] =	ssyncset.done $0x0  }
0x3b: {  	[sflag:s29] =	ssyncadd.s32 $0xFFFFFF80  }
0x3c: {  	_ =	swait.ge [sflag:s29], $0x80  }
0x3d: {  	[sflag:s29] =	ssyncset.done $0x0  }
0x3e: {  	s8 =	simm.s32 @p0 $0xA;
	[sflag:s29] =	ssyncadd.s32 $0xFFFFFF80  }
0x3f: {  	[tilespmem:s30], [sflag:$0x5] =	stream.indirect.gather [hbm4b:s1+s21], $0x80, s10, s21, $0xb8;
	[tilespmem:$0x1FB80] =	vst v63  }
0x40: {  	_ =	swait.ge @p0 [sflag:s8], $0x2700  }
0x41: {  	[sflag:s8] =	ssyncset.done @p0 $0x0  }
0x42: {  	[sflag:s8] =	ssyncadd.s32 @p0 $0xFFFFD900;
	s8 =	simm.s32 @!p0 $0xA  }
0x43: {  	_ =	swait.ge @!p0 [sflag:s8], $0x2800  }
0x44: {  	[sflag:s8] =	ssyncset.done @!p0 $0x0  }
0x45: {  	[sflag:s8] =	ssyncadd.s32 @!p0 $0xFFFFD800  }
0x46: {  	[bflag:$0x0] =	sbarrier.arrive $0xFFFF  }
0x47: {  	_ =	swait.ge [sflag:s31], $0x4000  }
0x48: {  	[sflag:s31] =	ssyncset.done $0x0  }
0x49: {  	[sflag:s31] =	ssyncadd.s32 $0xFFFFC000  }
0x4a: {  	_ =	swait.ge [sflag:s0], $0x80  }
0x4b: {  	[sflag:s0] =	ssyncset.done $0x0  }
0x4c: {  	[sflag:s0] =	ssyncadd.s32 $0xFFFFFF80  }
0x4d: {  	_ =	swait.ge [sflag:s0], $0x80  }
0x4e: {  	p2 =	por $0x1, $0x1;
	[sflag:s0] =	ssyncset.done $0x0  }
0x4f: {  	s8 =	simm.s32 @!p2 $0x9;
	[sflag:s0] =	ssyncadd.s32 $0xFFFFFF80  }
0x50: {  	_ =	swait.ge @!p2 [sflag:s8], $0x4000  }
0x51: {  	[sflag:s8] =	ssyncset.done @!p2 $0x0  }
0x52: {  	[sflag:s8] =	ssyncadd.s32 @!p2 $0xFFFFC000;
	p2 =	sle.u32 s6, $0x3  }
0x53: {  	[tilespmem:s5], [sflag:$0x6] =	stream.indirect.gather [hbm4b:s1+s21], $0x80, s24, s21, $0xb8;
	[tilespmem:$0x1FB80] =	vst v63  }
0x54: {  	s8 =	simm.s32 @p2 $0x5  }
0x55: {  	[spmem:s3] =	stream.indirect.scatter.add.f32 [tilespmem:s28], [sflag:$0x7], $0x80, s21, s21, $0xb8;
	[tilespmem:$0x1FB80] =	vst v63  }
0x56: {  	_ =	swait.ge @p2 [sflag:s8], $0x4000  }
0x57: {  	s9 =	sshrl.u32 @!p2 s20, $0x3;
	[sflag:s8] =	ssyncset.done @p2 $0x0  }
0x58: {  	s17 =	simm.s32 @!p2 $0x0;
	s10 =	sadd.s32 @!p2 s2, s9;
	[sflag:s8] =	ssyncadd.s32 @p2 $0xFFFFC000  }
0x59: {  	[tilespmem:s17], [sflag:$0x1] =	stream.linear.gather @!p2 [hbm4b:s10+s17], $0x80, $0x38;
	[tilespmem:$0x1FB80] =	vst v63  }
0x5a: {  	s8 =	sadd.s32 @!p2 s9, s7;
	s9 =	simm.s32 @!p2 $0x80;
	s10 =	simm.s32 @!p2 $0x5  }
0x5b: {  	[tilespmem:s9], [sflag:$0x1] =	stream.linear.gather @!p2 [hbm4b:s8+s17], $0x80, $0x38;
	[tilespmem:$0x1FB80] =	vst v63  }
0x5c: {  	_ =	swait.ge @!p2 [sflag:s10], $0x4000  }
0x5d: {  	[sflag:s10] =	ssyncset.done @!p2 $0x0  }
0x5e: {  	s8 =	simm.s32 @!p2 $0x1;
	[sflag:s10] =	ssyncadd.s32 @!p2 $0xFFFFC000  }
0x5f: {  	_ =	swait.ge @!p2 [sflag:s8], $0x80  }
0x60: {  	[sflag:s8] =	ssyncset.done @!p2 $0x0  }
0x61: {  	[sflag:s8] =	ssyncadd.s32 @!p2 $0xFFFFFF80  }
0x62: {  	_ =	swait.ge @!p2 [sflag:s8], $0x80  }
0x63: {  	[sflag:s8] =	ssyncset.done @!p2 $0x0  }
0x64: {  	s10 =	simm.s32 @!p2 $0x7;
	[sflag:s8] =	ssyncadd.s32 @!p2 $0xFFFFFF80  }
0x65: {  	_ =	swait.ge @!p2 [sflag:s10], $0x4000  }
0x66: {  	[sflag:s10] =	ssyncset.done @!p2 $0x0  }
0x67: {  	s8 =	simm.s32 @!p2 $0x300;
	[sflag:s10] =	ssyncadd.s32 @!p2 $0xFFFFC000  }
0x68: {  	[tilespmem:s8], [sflag:$0x4] =	stream.indirect.gather @!p2 [hbm4b:s1+s9], $0x80, s17, s9, $0xb8;
	[tilespmem:$0x1FB80] =	vst v63  }
0x69: {  	p2 =	sle.u32 s6, $0x4  }
0x6a: {  	s8 =	simm.s32 @p2 $0x6  }
0x6b: {  	[spmem:s3] =	stream.indirect.scatter.add.f32 [tilespmem:s30], [sflag:$0x8], $0x80, s23, s21, $0xb8;
	[tilespmem:$0x1FB80] =	vst v63  }
0x6c: {  	_ =	swait.ge @p2 [sflag:s8], $0x4000  }
0x6d: {  	s10 =	simm.s32 @!p2 $0x100;
	s9 =	rddreg [dreg:$0x6];
	[sflag:s8] =	ssyncset.done @p2 $0x0  }
0x6e: {  	[sflag:s8] =	ssyncadd.s32 @p2 $0xFFFFC000;
	s8 =	sadd.s32 @!p2 $0x0, s9;
	s9 =	simm.s32 @!p2 $0x0  }
0x6f: {  	[tilespmem:s10], [sflag:$0x2] =	stream.linear.gather @!p2 [hbm4b:s8+s9], $0x80, $0x38;
	[tilespmem:$0x1FB80] =	vst v63  }
0x70: {  	s17 =	simm.s32 @!p2 $0x180;
	s18 =	simm.s32 @!p2 $0x6;
	s8 =	sadd.s32 @!p2 $0x10, s8  }
0x71: {  	[tilespmem:s17], [sflag:$0x2] =	stream.linear.gather @!p2 [hbm4b:s8+s9], $0x80, $0x38;
	[tilespmem:$0x1FB80] =	vst v63  }
0x72: {  	_ =	swait.ge @!p2 [sflag:s18], $0x4000  }
0x73: {  	[sflag:s18] =	ssyncset.done @!p2 $0x0  }
0x74: {  	s8 =	simm.s32 @!p2 $0x2;
	[sflag:s18] =	ssyncadd.s32 @!p2 $0xFFFFC000  }
0x75: {  	_ =	swait.ge @!p2 [sflag:s8], $0x80  }
0x76: {  	[sflag:s8] =	ssyncset.done @!p2 $0x0  }
0x77: {  	[sflag:s8] =	ssyncadd.s32 @!p2 $0xFFFFFF80  }
0x78: {  	_ =	swait.ge @!p2 [sflag:s8], $0x80  }
0x79: {  	[sflag:s8] =	ssyncset.done @!p2 $0x0  }
0x7a: {  	s9 =	simm.s32 @!p2 $0x8;
	[sflag:s8] =	ssyncadd.s32 @!p2 $0xFFFFFF80  }
0x7b: {  	_ =	swait.ge @!p2 [sflag:s9], $0x4000  }
0x7c: {  	p4 =	sle.u32 s6, $0x5;
	s22 =	simm.s32 $0x8;
	[sflag:s9] =	ssyncset.done @!p2 $0x0  }
0x7d: {  	s17 =	simm.s32 @!p2 $0x80;
	s8 =	simm.s32 @!p2 $0x4300;
	[sflag:s9] =	ssyncadd.s32 @!p2 $0xFFFFC000  }
0x7e: {  	[tilespmem:s8], [sflag:$0x5] =	stream.indirect.gather @!p2 [hbm4b:s1+s17], $0x80, s10, s17, $0xb8;
	[tilespmem:$0x1FB80] =	vst v63  }
0x7f: {  	s18 =	sadd.s32 $0x6000, s20;
	s17 =	simm.s32 $0xC00;
	s8 =	rddreg [dreg:$0x7]  }
0x80: {  	s10 =	simm.s32 @!p4 $0x200;
	s9 =	sadd.s32 @!p4 $0x0, s8;
	s8 =	simm.s32 @!p4 $0x0  }
0x81: {  	[spmem:s3] =	stream.indirect.scatter.add.f32 [tilespmem:s5], [sflag:$0x9], $0x80, s25, s21, $0xb8;
	[tilespmem:$0x1FB80] =	vst v63  }
.LBB2_2:
0x82: {  	[tilespmem:s10], [sflag:$0x3] =	stream.linear.gather @!p4 [hbm4b:s9+s8], $0x80, $0x38;
	[tilespmem:$0x1FB80] =	vst v63  }
0x83: {  	s11 =	sadd.s32 @!p4 $0x10, s9;
	s15 =	simm.s32 @!p4 $0x280  }
0x84: {  	[tilespmem:s15], [sflag:$0x3] =	stream.linear.gather @!p4 [hbm4b:s11+s8], $0x80, $0x38;
	[tilespmem:$0x1FB80] =	vst v63  }
0x85: {  	_ =	swait.ge [sflag:s31], $0x4000  }
0x86: {  	[sflag:s31] =	ssyncset.done $0x0  }
0x87: {  	[sflag:s31] =	ssyncadd.s32 $0xFFFFC000  }
0x88: {  	_ =	swait.ge [sflag:s0], $0x80  }
0x89: {  	[sflag:s0] =	ssyncset.done $0x0  }
0x8a: {  	[sflag:s0] =	ssyncadd.s32 $0xFFFFFF80  }
0x8b: {  	s19 =	smov.u32 s17;
	_ =	swait.ge [sflag:s0], $0x80  }
0x8c: {  	p3 =	seq.s32 s19, $0x0;
	[sflag:s0] =	ssyncset.done $0x0  }
0x8d: {  	s8 =	simm.s32 @!p3 $0x9;
	[sflag:s0] =	ssyncadd.s32 $0xFFFFFF80  }
0x8e: {  	_ =	swait.ge @!p3 [sflag:s8], $0x4000  }
0x8f: {  	s15 =	sadd.s32 $0xFFFFFFFE, s22;
	[sflag:s8] =	ssyncset.done @!p3 $0x0  }
0x90: {  	[sflag:s8] =	ssyncadd.s32 @!p3 $0xFFFFC000;
	p3 =	sge.u32 s15, s6  }
0x91: {  	[tilespmem:s5], [sflag:$0x6] =	stream.indirect.gather [hbm4b:s1+s21], $0x80, s24, s21, $0xb8;
	[tilespmem:$0x1FB80] =	vst v63  }
0x92: {  	s8 =	simm.s32 @p3 $0x5  }
0x93: {  	[spmem:s3] =	stream.indirect.scatter.add.f32 [tilespmem:s28], [sflag:$0x7], $0x80, s21, s21, $0xb8;
	[tilespmem:$0x1FB80] =	vst v63  }
0x94: {  	_ =	swait.ge @p3 [sflag:s8], $0x4000  }
0x95: {  	s9 =	sshrl.u32 @!p3 s18, $0x3;
	[sflag:s8] =	ssyncset.done @p3 $0x0  }
0x96: {  	s11 =	simm.s32 @!p3 $0x0;
	s10 =	sadd.s32 @!p3 s2, s9;
	[sflag:s8] =	ssyncadd.s32 @p3 $0xFFFFC000  }
0x97: {  	[tilespmem:s11], [sflag:$0x1] =	stream.linear.gather @!p3 [hbm4b:s10+s11], $0x80, $0x38;
	[tilespmem:$0x1FB80] =	vst v63  }
0x98: {  	s15 =	simm.s32 @!p3 $0x80;
	s9 =	sadd.s32 @!p3 s9, s7;
	s8 =	simm.s32 @!p3 $0x5  }
0x99: {  	[tilespmem:s15], [sflag:$0x1] =	stream.linear.gather @!p3 [hbm4b:s9+s11], $0x80, $0x38;
	[tilespmem:$0x1FB80] =	vst v63  }
0x9a: {  	_ =	swait.ge @!p3 [sflag:s8], $0x4000  }
0x9b: {  	[sflag:s8] =	ssyncset.done @!p3 $0x0  }
0x9c: {  	s9 =	simm.s32 @!p3 $0x1;
	[sflag:s8] =	ssyncadd.s32 @!p3 $0xFFFFC000  }
0x9d: {  	_ =	swait.ge @!p3 [sflag:s9], $0x80  }
0x9e: {  	[sflag:s9] =	ssyncset.done @!p3 $0x0  }
0x9f: {  	[sflag:s9] =	ssyncadd.s32 @!p3 $0xFFFFFF80  }
0xa0: {  	_ =	swait.ge @!p3 [sflag:s9], $0x80  }
0xa1: {  	[sflag:s9] =	ssyncset.done @!p3 $0x0  }
0xa2: {  	s8 =	simm.s32 @!p3 $0x7;
	[sflag:s9] =	ssyncadd.s32 @!p3 $0xFFFFFF80  }
0xa3: {  	_ =	swait.ge @!p3 [sflag:s8], $0x4000  }
0xa4: {  	[sflag:s8] =	ssyncset.done @!p3 $0x0  }
0xa5: {  	s10 =	sadd.s32 $0xFFFFFFFF, s22;
	s9 =	simm.s32 @!p3 $0x300;
	[sflag:s8] =	ssyncadd.s32 @!p3 $0xFFFFC000  }
0xa6: {  	[tilespmem:s9], [sflag:$0x4] =	stream.indirect.gather @!p3 [hbm4b:s1+s15], $0x80, s11, s15, $0xb8;
	[tilespmem:$0x1FB80] =	vst v63  }
0xa7: {  	p3 =	sge.u32 s10, s6  }
0xa8: {  	s8 =	simm.s32 @p3 $0x6  }
0xa9: {  	[spmem:s3] =	stream.indirect.scatter.add.f32 [tilespmem:s30], [sflag:$0x8], $0x80, s23, s21, $0xb8;
	[tilespmem:$0x1FB80] =	vst v63  }
0xaa: {  	_ =	swait.ge @p3 [sflag:s8], $0x4000  }
0xab: {  	s10 =	simm.s32 @!p3 $0x0;
	[sflag:s8] =	ssyncset.done @p3 $0x0;
	s9 =	rddreg [dreg:$0x6]  }
0xac: {  	s11 =	simm.s32 @!p3 $0x100;
	[sflag:s8] =	ssyncadd.s32 @p3 $0xFFFFC000;
	s9 =	sadd.s32 @!p3 s19, s9  }
0xad: {  	[tilespmem:s11], [sflag:$0x2] =	stream.linear.gather @!p3 [hbm4b:s9+s10], $0x80, $0x38;
	[tilespmem:$0x1FB80] =	vst v63  }
0xae: {  	s15 =	simm.s32 @!p3 $0x6;
	s8 =	simm.s32 @!p3 $0x180;
	s9 =	sadd.s32 @!p3 $0x10, s9  }
0xaf: {  	[tilespmem:s8], [sflag:$0x2] =	stream.linear.gather @!p3 [hbm4b:s9+s10], $0x80, $0x38;
	[tilespmem:$0x1FB80] =	vst v63  }
0xb0: {  	_ =	swait.ge @!p3 [sflag:s15], $0x4000  }
0xb1: {  	[sflag:s15] =	ssyncset.done @!p3 $0x0  }
0xb2: {  	s8 =	simm.s32 @!p3 $0x2;
	[sflag:s15] =	ssyncadd.s32 @!p3 $0xFFFFC000  }
0xb3: {  	_ =	swait.ge @!p3 [sflag:s8], $0x80  }
0xb4: {  	[sflag:s8] =	ssyncset.done @!p3 $0x0  }
0xb5: {  	[sflag:s8] =	ssyncadd.s32 @!p3 $0xFFFFFF80  }
0xb6: {  	s17 =	sadd.s32 $0xC00, s17;
	_ =	swait.ge @!p3 [sflag:s8], $0x80  }
0xb7: {  	p2 =	sne.s32 s17, $0x13800;
	[sflag:s8] =	ssyncset.done @!p3 $0x0  }
0xb8: {  	p4 =	sge.u32 s22, s6;
	s9 =	simm.s32 @!p3 $0x8;
	[sflag:s8] =	ssyncadd.s32 @!p3 $0xFFFFFF80  }
0xb9: {  	s18 =	sadd.s32 $0x6000, s18;
	s22 =	sadd.s32 $0x3, s22;
	_ =	swait.ge @!p3 [sflag:s9], $0x4000  }
.Ltmp0:
0xba: {  	s10 =	simm.s32 @!p3 $0x80;
	[sflag:s9] =	ssyncset.done @!p3 $0x0;
	(pc) =	sbr.rel @p2 .LBB2_2-.Ltmp0, $4  }
0xbb: {  	s8 =	simm.s32 @!p3 $0x4300;
	s15 =	rddreg [dreg:$0x7];
	[sflag:s9] =	ssyncadd.s32 @!p3 $0xFFFFC000  }
0xbc: {  	[tilespmem:s8], [sflag:$0x5] =	stream.indirect.gather @!p3 [hbm4b:s1+s10], $0x80, s11, s10, $0xb8;
	[tilespmem:$0x1FB80] =	vst v63  }
0xbd: {  	s9 =	sadd.s32 @!p4 s19, s15;
	s8 =	simm.s32 @!p4 $0x0;
	s10 =	simm.s32 @!p4 $0x200  }
0xbe: {  	[spmem:s3] =	stream.indirect.scatter.add.f32 [tilespmem:s5], [sflag:$0x9], $0x80, s25, s21, $0xb8;
	[tilespmem:$0x1FB80] =	vst v63  }
0xbf: {  	[tilespmem:s10], [sflag:$0x3] =	stream.linear.gather @!p4 [hbm4b:s9+s8], $0x80, $0x38;
	[tilespmem:$0x1FB80] =	vst v63  }
0xc0: {  	s9 =	sadd.s32 @!p4 $0x10, s9;
	s10 =	simm.s32 @!p4 $0x280  }
0xc1: {  	[tilespmem:s10], [sflag:$0x3] =	stream.linear.gather @!p4 [hbm4b:s9+s8], $0x80, $0x38;
	[tilespmem:$0x1FB80] =	vst v63  }
0xc2: {  	s8 =	simm.s32 @!p1 $0x4  }
0xc3: {  	_ =	swait.ge @!p1 [sflag:s8], $0x4000  }
0xc4: {  	s17 =	simm.s32 $0x7;
	[sflag:s8] =	ssyncset.done @!p1 $0x0  }
0xc5: {  	s9 =	simm.s32 @!p1 $0x300;
	[sflag:s8] =	ssyncadd.s32 @!p1 $0xFFFFC000;
	s8 =	simm.s32 @!p1 $0x80  }
0xc6: {  	[spmem:s3] =	stream.indirect.scatter.add.f32 @!p1 [tilespmem:s9], [sflag:$0x7], $0x80, s8, s8, $0xb8;
	[tilespmem:$0x1FB80] =	vst v63  }
0xc7: {  	_ =	swait.ge [sflag:s17], $0x4000  }
0xc8: {  	[sflag:s17] =	ssyncset.done $0x0  }
0xc9: {  	s18 =	simm.s32 $0x8;
	[sflag:s17] =	ssyncadd.s32 $0xFFFFC000  }
0xca: {  	_ =	swait.ge [sflag:s18], $0x4000  }
0xcb: {  	[sflag:s18] =	ssyncset.done $0x0  }
0xcc: {  	s19 =	simm.s32 $0x9;
	[sflag:s18] =	ssyncadd.s32 $0xFFFFC000  }
0xcd: {  	_ =	swait.ge [sflag:s19], $0x4000  }
0xce: {  	[sflag:s19] =	ssyncset.done $0x0  }
0xcf: {  	[sflag:s19] =	ssyncadd.s32 $0xFFFFC000  }
0xd0: {  	[bflag:$0x0] =	sbarrier.arrive $0xFFFF  }
0xd1: {  	s8 =	sor.u32 @p0 $0x1C0B, s14;
	s9 =	rddreg [dreg:$0x11]  }
0xd2: {  	[hbm:s9], [sflag:s8] =	dma.local @p0 [spmem:s16], $0x2700  }
0xd3: {  	s8 =	simm.s32 @p0 $0xB  }
0xd4: {  	_ =	swait.ge @p0 [sflag:s8], $0x2700  }
0xd5: {  	[sflag:s8] =	ssyncset.done @p0 $0x0  }
0xd6: {  	s9 =	rddreg [dreg:$0x12];
	[sflag:s8] =	ssyncadd.s32 @p0 $0xFFFFD900;
	s8 =	simm.s32 @!p0 $0x1FCB  }
0xd7: {  	[hbm:s9], [sflag:s8] =	dma.local @!p0 [spmem:s13], $0x2800  }
0xd8: {  	s8 =	simm.s32 @!p0 $0xB  }
0xd9: {  	_ =	swait.ge @!p0 [sflag:s8], $0x2800  }
0xda: {  	s12 =	sadd.s32 $0x1, s12;
	s22 =	rddreg [dreg:$0x13]  }
0xdb: {  	p2 =	sne.s32 s12, s22  }
.Ltmp1:
0xdc: {  	_ = 	snop;
	(pc) =	sbr.rel @p2 .LBB2_1-.Ltmp1, $3  }
0xdd: {  	_ =	sdelay $0x1  }
0xde: {  	[sflag:s8] =	ssyncset.done @!p0 $0x0  }
0xdf: {  	[sflag:s8] =	ssyncadd.s32 @!p0 $0xFFFFD800  }
0xe0: {  	_ =	sfence.sel $0x180000  }
0xe1: {  	[bflag:$0x0] =	sbarrier.arrive $0xFFFF  }
0xe2: {  	_ =	strace $0x90000047  }
0xe3: {  	s0 =	stileid.u32;
	[bflag:$0x2] =	sbarrier.arrive $0xFFFF  }
0xe4: {  	p0 =	sne.s32 s0, $0x0;
	s0 =	rddreg [dreg:$0x5]  }
0xe5: {  	s0 =	sadd.s32 @!p0 $0x100000, s0  }
0xe6: {  	[sflag:s0] =	ssyncadd.tile.s32 @!p0 $0x1;
	_ =	shalt  }
.Lfunc_end2:
_tile_overlayer_lowered:
.L_overlay_start_2:
0xe7: {  	(tag) =	ssettag $0x2  }
0xe8: {  	s0 =	rddreg [dreg:$0x0];
	s2 =	stileid.u32  }
0xe9: {  	s1 =	rddreg [dreg:$0x1];
	p0 =	sne.s32 s2, $0x0  }
0xea: {  	s3 =	rddreg [dreg:$0x2];
	[bflag:$0x3] =	sbarrier.arrive $0xFFFF;
	s2 =	simm.s32 @!p0 $0x1C0B  }
0xeb: {  	[timem:s3], [sflag:s2] =	dma.local @!p0 [hbm:s0], s1  }
0xec: {  	s0 =	simm.s32 @!p0 $0xB  }
0xed: {  	_ =	swait.ge @!p0 [sflag:s0], s1  }
0xee: {  	s1 =	ssub.s32 @!p0 $0x0, s1;
	[sflag:s0] =	ssyncset.done @!p0 $0x0  }
0xef: {  	[sflag:s0] =	ssyncadd.s32 @!p0 s1  }
0xf0: {  	[bflag:$0x3] =	sbarrier.arrive $0xFFFF  }
0xf1: {  	_ =	shalt  }

</sc_bundles>
